<compile_context>
chip_gen: v7x
topology: tpu7x:2x2x1
jax: 0.10.2.dev20260603
libtpu: 0.0.44.dev20260713+nightly
codegen_flags: <defaults>
</compile_context>

<pallas_src>
import jax
import jax.numpy as jnp
from jax import lax
from jax.experimental import pallas as pl
from jax.experimental.pallas import tpu as pltpu
from jax.experimental.pallas import tpu_sc as plsc

L_SEQ = 200
NB = 32
BI = 128
EMB = 14
LC = 25


def _body(tab_hbm, x_hbm, out_hbm, xchunk, idx_v, plane, col_a,
          sem_col, sem_g, sem_o):
    cid = lax.axis_index("c")
    sid = lax.axis_index("s")
    wid = sid * 2 + cid

    def stage_lc(lc, carry):
        l0 = LC * lc
        pltpu.sync_copy(x_hbm.at[pl.ds(l0, LC), wid, :, :], xchunk)
        pltpu.sync_copy(xchunk.at[:, 1, :], out_hbm.at[pl.ds(l0, LC), 1, wid, 6, :])
        pltpu.sync_copy(xchunk.at[:, 1, :], out_hbm.at[pl.ds(l0, LC), 1, wid, 7, :])

        def conv_l(l2, carry2):
            def conv_g(g, carry3):
                v = xchunk[l2, 0, pl.ds(16 * g, 16)]
                idx_v[l0 + l2, pl.ds(16 * g, 16)] = v.astype(jnp.int32)
                return carry3
            return lax.fori_loop(0, BI // 16, conv_g, carry2)

        return lax.fori_loop(0, LC, conv_l, carry)

    lax.fori_loop(0, L_SEQ // LC, stage_lc, 0)

    SLICE = VPAD // 16

    for c in range(EMB):
        pltpu.async_copy(tab_hbm.at[c, pl.ds(sid * SLICE, SLICE)],
                         col_a.at[pl.ds(sid * SLICE, SLICE)], sem_col).wait()
        plsc.subcore_barrier()

        if c >= 1:
            pltpu.make_async_copy(plane, out_hbm.at[:, 0, wid, 0, :], sem_o).wait()

        def fire_l(l, carry):
            pltpu.async_copy(col_a.at[idx_v.at[l]], plane.at[l], sem_g)
            return carry

        lax.fori_loop(0, L_SEQ, fire_l, 0)

        pltpu.make_async_copy(plane, out_hbm.at[:, 0, wid, 0, :], sem_g).wait()

        pltpu.async_copy(plane, out_hbm.at[:, c // 8, wid, c % 8, :], sem_o)
        plsc.subcore_barrier()

    pltpu.make_async_copy(plane, out_hbm.at[:, 0, wid, 0, :], sem_o).wait()


VPAD = 1000448


def kernel(x, table):
    tab_p = jnp.pad(table, ((0, VPAD - 1000000), (0, 2)))
    tab_t = (tab_p.reshape(VPAD // BI, BI, 2, 8)
             .transpose(2, 0, 3, 1)
             .transpose(0, 2, 1, 3)
             .reshape(16, VPAD))
    xp = x.transpose(1, 0, 2).reshape(L_SEQ, NB, BI, 2).transpose(0, 1, 3, 2)

    run = pl.kernel(
        _body,
        out_type=jax.ShapeDtypeStruct((L_SEQ, 2, NB, 8, BI), jnp.float32),
        mesh=plsc.VectorSubcoreMesh(core_axis_name="c", subcore_axis_name="s"),
        compiler_params=pltpu.CompilerParams(
            needs_layout_passes=False, use_tc_tiling_on_sc=False),
        scratch_types=[
            pltpu.VMEM((LC, 2, BI), jnp.float32),
            pltpu.VMEM((L_SEQ, BI), jnp.int32),
            pltpu.VMEM((L_SEQ, BI), jnp.float32),
            pltpu.VMEM_SHARED((VPAD,), jnp.float32),
            pltpu.SemaphoreType.DMA,
            pltpu.SemaphoreType.DMA,
            pltpu.SemaphoreType.DMA,
        ],
    )
    out5 = run(tab_t, xp)
    out = out5.transpose(2, 4, 0, 1, 3).reshape(NB * BI, L_SEQ, EMB + 2)
    return out

# --- scband reference (transcript-rebuilt; emitter-appended) ---
"""Pipeline reference for scband-custom-combined-embedding-13331578487257 (READ-ONLY COPY).

The authoritative reference and input builder live on the scoring server;
editing this copy changes nothing except your own understanding.
"""

import jax, jax.numpy as jnp
import numpy as np

VOCAB = 1000000
HIDDEN = 16
EMB_DIM = HIDDEN - 2
B, L = 4096, 200

def setup_inputs(seed: int = 0) -> dict:
    key = jax.random.key(seed)
    k1, k2 = jax.random.split(key)
    # x packs [index, duration] in the last dim; randint values are valid indices
    # and also serve as float durations.
    x = jax.random.randint(k1, (B, L, 2), 0, VOCAB).astype(jnp.float32)
    table = jax.random.normal(k2, (VOCAB, EMB_DIM), dtype=jnp.float32) * 0.02
    return {"x": x, "table": table}

def reference(x, table):
    # torch.split(x, [1, 1], dim=-1)
    embedded_idx = x[..., 0:1]
    durations = x[..., 1:2]
    # torch.cumsum over last dim of size 1 is identity, kept for faithfulness
    ends = jnp.cumsum(durations, axis=-1)
    idx = embedded_idx.astype(jnp.int32)  # [B, L, 1]
    emb = jnp.take(table, idx, axis=0)    # [B, L, 1, EMB_DIM]
    emb = jnp.squeeze(emb, axis=-2)       # [B, L, EMB_DIM]  (dropout p=0.0 -> identity)
    out = jnp.concatenate([emb, durations, ends], axis=-1)  # [B, L, HIDDEN]
    return out

if __name__ == "__main__":
    import jax
    _d = setup_inputs()
    print(jax.jit(kernel)(*tuple(_d.values())))

</pallas_src>

<mosaic_0001>
#map = affine_map<(d0, d1) -> (0, 0)>
#map1 = affine_map<(d0, d1) -> (0, 0, 0, 0)>
#map2 = affine_map<(d0, d1) -> (0, 0, 0, 0, 0)>
module attributes {stable_mosaic.version = 14 : i64} {
  func.func @_body(%arg0: i32, %arg1: i32, %arg2: memref<16x1000448xf32, #tpu.memory_space<hbm>>, %arg3: memref<200x32x2x128xf32, #tpu.memory_space<hbm>>, %arg4: memref<200x2x32x8x128xf32, #tpu.memory_space<hbm>>, %arg5: memref<25x2x128xf32, #tpu.memory_space<vmem>>, %arg6: memref<200x128xi32, #tpu.memory_space<vmem>>, %arg7: memref<200x128xf32, #tpu.memory_space<vmem>>, %arg8: memref<1000448xf32, #tpu.memory_space<vmem_shared>>, %arg9: memref<!tpu.dma_semaphore, #tpu.memory_space<semaphore_mem>>, %arg10: memref<!tpu.dma_semaphore, #tpu.memory_space<semaphore_mem>>, %arg11: memref<!tpu.dma_semaphore, #tpu.memory_space<semaphore_mem>>) attributes {dimension_semantics = [#tpu.dimension_semantics<core_parallel>, #tpu.dimension_semantics<subcore_parallel>], iteration_bounds = array<i64: 2, 16>, scalar_prefetch = 0 : i64, scratch_operands = 7 : i64, tpu.core_type = #tpu.core_type<sc_vector_subcore>, window_params = [{transform_indices = #map}, {transform_indices = #map1}, {transform_indices = #map2}]} {
    %mul3A = arith.constant 2 : i32
    %mul3A_0 = arith.muli %arg1, %mul3A : i32
    %add3A = arith.addi %mul3A_0, %arg0 : i32
    %scan3A = arith.constant 0 : i32
    %scan3A_1 = arith.constant 0 : i32
    %scan3A_2 = arith.constant 8 : i32
    %scan3A_3 = arith.addi %scan3A_1, %scan3A_2 : i32
    %scan3A_4 = arith.constant 1 : i32
    scf.for %scan3A_703 = %scan3A_1 to %scan3A_3 step %scan3A_4  : i32 {
      %mul3A_704 = arith.constant 25 : i32
      %mul3A_705 = arith.muli %mul3A_704, %scan3A_703 : i32
      "tpu.region"() ({
        %run_scoped3A_716 = tpu.sem_alloc : memref<!tpu.dma_semaphore, #tpu.memory_space<semaphore_mem>>
        %dma_start3A_717 = arith.constant 0 : i32
        %dma_start3A_718 = arith.constant 0 : i32
        %dma_start3A_719 = tpu.memref_slice %arg3[%mul3A_705, %add3A, %dma_start3A_717, %dma_start3A_718] : memref<200x32x2x128xf32, #tpu.memory_space<hbm>> -> memref<25x1x2x128xf32, #tpu.memory_space<hbm>>
        %dma_start3A_720 = tpu.memref_squeeze %dma_start3A_719 : memref<25x1x2x128xf32, #tpu.memory_space<hbm>> -> memref<25x2x128xf32, #tpu.memory_space<hbm>>
        %dma_start3A_721 = arith.constant 0 : i32
        %dma_start3A_722 = arith.constant 0 : i32
        %dma_start3A_723 = tpu.memref_slice %arg3[%mul3A_705, %add3A, %dma_start3A_721, %dma_start3A_722] : memref<200x32x2x128xf32, #tpu.memory_space<hbm>> -> memref<25x1x2x128xf32, #tpu.memory_space<hbm>>
        %dma_start3A_724 = tpu.memref_squeeze %dma_start3A_723 : memref<25x1x2x128xf32, #tpu.memory_space<hbm>> -> memref<25x2x128xf32, #tpu.memory_space<hbm>>
        tpu.enqueue_dma source(%dma_start3A_724 : memref<25x2x128xf32, #tpu.memory_space<hbm>>) target(%arg5 : memref<25x2x128xf32, #tpu.memory_space<vmem>>) target_semaphore(%run_scoped3A_716 : memref<!tpu.dma_semaphore, #tpu.memory_space<semaphore_mem>>)
        %dma_wait3A_725 = arith.constant 0 : i32
        %dma_wait3A_726 = arith.constant 0 : i32
        %dma_wait3A_727 = tpu.memref_slice %arg3[%mul3A_705, %add3A, %dma_wait3A_725, %dma_wait3A_726] : memref<200x32x2x128xf32, #tpu.memory_space<hbm>> -> memref<25x1x2x128xf32, #tpu.memory_space<hbm>>
        %dma_wait3A_728 = tpu.memref_squeeze %dma_wait3A_727 : memref<25x1x2x128xf32, #tpu.memory_space<hbm>> -> memref<25x2x128xf32, #tpu.memory_space<hbm>>
        %dma_wait3A_729 = arith.constant 0 : i32
        %dma_wait3A_730 = arith.constant 0 : i32
        %dma_wait3A_731 = tpu.memref_slice %arg3[%mul3A_705, %add3A, %dma_wait3A_729, %dma_wait3A_730] : memref<200x32x2x128xf32, #tpu.memory_space<hbm>> -> memref<25x1x2x128xf32, #tpu.memory_space<hbm>>
        %dma_wait3A_732 = tpu.memref_squeeze %dma_wait3A_731 : memref<25x1x2x128xf32, #tpu.memory_space<hbm>> -> memref<25x2x128xf32, #tpu.memory_space<hbm>>
        tpu.wait_dma2 semaphore(%run_scoped3A_716 : memref<!tpu.dma_semaphore, #tpu.memory_space<semaphore_mem>>) src(%dma_wait3A_732 : memref<25x2x128xf32, #tpu.memory_space<hbm>>) dst(%arg5 : memref<25x2x128xf32, #tpu.memory_space<vmem>>)
        tpu.yield
      }) : () -> ()
      %run_scoped3A = arith.constant 1 : i32
      %run_scoped3A_706 = arith.constant 1 : i32
      %run_scoped3A_707 = arith.constant 6 : i32
      "tpu.region"() ({
        %run_scoped3A_716 = tpu.sem_alloc : memref<!tpu.dma_semaphore, #tpu.memory_space<semaphore_mem>>
        %dma_start3A_717 = arith.constant 0 : i32
        %dma_start3A_718 = arith.constant 0 : i32
        %dma_start3A_719 = tpu.memref_slice %arg5[%dma_start3A_717, %run_scoped3A, %dma_start3A_718] : memref<25x2x128xf32, #tpu.memory_space<vmem>> -> memref<25x1x128xf32, #tpu.memory_space<vmem>>
        %dma_start3A_720 = tpu.memref_squeeze %dma_start3A_719 : memref<25x1x128xf32, #tpu.memory_space<vmem>> -> memref<25x128xf32, #tpu.memory_space<vmem>>
        %dma_start3A_721 = arith.constant 0 : i32
        %dma_start3A_722 = tpu.memref_slice %arg4[%mul3A_705, %run_scoped3A_706, %add3A, %run_scoped3A_707, %dma_start3A_721] : memref<200x2x32x8x128xf32, #tpu.memory_space<hbm>> -> memref<25x1x1x1x128xf32, #tpu.memory_space<hbm>>
        %dma_start3A_723 = tpu.memref_squeeze %dma_start3A_722 : memref<25x1x1x1x128xf32, #tpu.memory_space<hbm>> -> memref<25x128xf32, #tpu.memory_space<hbm>>
        %dma_start3A_724 = arith.constant 0 : i32
        %dma_start3A_725 = tpu.memref_slice %arg4[%mul3A_705, %run_scoped3A_706, %add3A, %run_scoped3A_707, %dma_start3A_724] : memref<200x2x32x8x128xf32, #tpu.memory_space<hbm>> -> memref<25x1x1x1x128xf32, #tpu.memory_space<hbm>>
        %dma_start3A_726 = tpu.memref_squeeze %dma_start3A_725 : memref<25x1x1x1x128xf32, #tpu.memory_space<hbm>> -> memref<25x128xf32, #tpu.memory_space<hbm>>
        %dma_start3A_727 = arith.constant 0 : i32
        %dma_start3A_728 = arith.constant 0 : i32
        %dma_start3A_729 = tpu.memref_slice %arg5[%dma_start3A_727, %run_scoped3A, %dma_start3A_728] : memref<25x2x128xf32, #tpu.memory_space<vmem>> -> memref<25x1x128xf32, #tpu.memory_space<vmem>>
        %dma_start3A_730 = tpu.memref_squeeze %dma_start3A_729 : memref<25x1x128xf32, #tpu.memory_space<vmem>> -> memref<25x128xf32, #tpu.memory_space<vmem>>
        tpu.enqueue_dma source(%dma_start3A_730 : memref<25x128xf32, #tpu.memory_space<vmem>>) target(%dma_start3A_726 : memref<25x128xf32, #tpu.memory_space<hbm>>) target_semaphore(%run_scoped3A_716 : memref<!tpu.dma_semaphore, #tpu.memory_space<semaphore_mem>>)
        %dma_wait3A_731 = arith.constant 0 : i32
        %dma_wait3A_732 = arith.constant 0 : i32
        %dma_wait3A_733 = tpu.memref_slice %arg5[%dma_wait3A_731, %run_scoped3A, %dma_wait3A_732] : memref<25x2x128xf32, #tpu.memory_space<vmem>> -> memref<25x1x128xf32, #tpu.memory_space<vmem>>
        %dma_wait3A_734 = tpu.memref_squeeze %dma_wait3A_733 : memref<25x1x128xf32, #tpu.memory_space<vmem>> -> memref<25x128xf32, #tpu.memory_space<vmem>>
        %dma_wait3A_735 = arith.constant 0 : i32
        %dma_wait3A_736 = tpu.memref_slice %arg4[%mul3A_705, %run_scoped3A_706, %add3A, %run_scoped3A_707, %dma_wait3A_735] : memref<200x2x32x8x128xf32, #tpu.memory_space<hbm>> -> memref<25x1x1x1x128xf32, #tpu.memory_space<hbm>>
        %dma_wait3A_737 = tpu.memref_squeeze %dma_wait3A_736 : memref<25x1x1x1x128xf32, #tpu.memory_space<hbm>> -> memref<25x128xf32, #tpu.memory_space<hbm>>
        %dma_wait3A_738 = arith.constant 0 : i32
        %dma_wait3A_739 = tpu.memref_slice %arg4[%mul3A_705, %run_scoped3A_706, %add3A, %run_scoped3A_707, %dma_wait3A_738] : memref<200x2x32x8x128xf32, #tpu.memory_space<hbm>> -> memref<25x1x1x1x128xf32, #tpu.memory_space<hbm>>
        %dma_wait3A_740 = tpu.memref_squeeze %dma_wait3A_739 : memref<25x1x1x1x128xf32, #tpu.memory_space<hbm>> -> memref<25x128xf32, #tpu.memory_space<hbm>>
        %dma_wait3A_741 = arith.constant 0 : i32
        %dma_wait3A_742 = arith.constant 0 : i32
        %dma_wait3A_743 = tpu.memref_slice %arg5[%dma_wait3A_741, %run_scoped3A, %dma_wait3A_742] : memref<25x2x128xf32, #tpu.memory_space<vmem>> -> memref<25x1x128xf32, #tpu.memory_space<vmem>>
        %dma_wait3A_744 = tpu.memref_squeeze %dma_wait3A_743 : memref<25x1x128xf32, #tpu.memory_space<vmem>> -> memref<25x128xf32, #tpu.memory_space<vmem>>
        tpu.wait_dma2 semaphore(%run_scoped3A_716 : memref<!tpu.dma_semaphore, #tpu.memory_space<semaphore_mem>>) src(%dma_wait3A_744 : memref<25x128xf32, #tpu.memory_space<vmem>>) dst(%dma_wait3A_740 : memref<25x128xf32, #tpu.memory_space<hbm>>)
        tpu.yield
      }) : () -> ()
      %run_scoped3A_708 = arith.constant 1 : i32
      %run_scoped3A_709 = arith.constant 1 : i32
      %run_scoped3A_710 = arith.constant 7 : i32
      "tpu.region"() ({
        %run_scoped3A_716 = tpu.sem_alloc : memref<!tpu.dma_semaphore, #tpu.memory_space<semaphore_mem>>
        %dma_start3A_717 = arith.constant 0 : i32
        %dma_start3A_718 = arith.constant 0 : i32
        %dma_start3A_719 = tpu.memref_slice %arg5[%dma_start3A_717, %run_scoped3A_708, %dma_start3A_718] : memref<25x2x128xf32, #tpu.memory_space<vmem>> -> memref<25x1x128xf32, #tpu.memory_space<vmem>>
        %dma_start3A_720 = tpu.memref_squeeze %dma_start3A_719 : memref<25x1x128xf32, #tpu.memory_space<vmem>> -> memref<25x128xf32, #tpu.memory_space<vmem>>
        %dma_start3A_721 = arith.constant 0 : i32
        %dma_start3A_722 = tpu.memref_slice %arg4[%mul3A_705, %run_scoped3A_709, %add3A, %run_scoped3A_710, %dma_start3A_721] : memref<200x2x32x8x128xf32, #tpu.memory_space<hbm>> -> memref<25x1x1x1x128xf32, #tpu.memory_space<hbm>>
        %dma_start3A_723 = tpu.memref_squeeze %dma_start3A_722 : memref<25x1x1x1x128xf32, #tpu.memory_space<hbm>> -> memref<25x128xf32, #tpu.memory_space<hbm>>
        %dma_start3A_724 = arith.constant 0 : i32
        %dma_start3A_725 = tpu.memref_slice %arg4[%mul3A_705, %run_scoped3A_709, %add3A, %run_scoped3A_710, %dma_start3A_724] : memref<200x2x32x8x128xf32, #tpu.memory_space<hbm>> -> memref<25x1x1x1x128xf32, #tpu.memory_space<hbm>>
        %dma_start3A_726 = tpu.memref_squeeze %dma_start3A_725 : memref<25x1x1x1x128xf32, #tpu.memory_space<hbm>> -> memref<25x128xf32, #tpu.memory_space<hbm>>
        %dma_start3A_727 = arith.constant 0 : i32
        %dma_start3A_728 = arith.constant 0 : i32
        %dma_start3A_729 = tpu.memref_slice %arg5[%dma_start3A_727, %run_scoped3A_708, %dma_start3A_728] : memref<25x2x128xf32, #tpu.memory_space<vmem>> -> memref<25x1x128xf32, #tpu.memory_space<vmem>>
        %dma_start3A_730 = tpu.memref_squeeze %dma_start3A_729 : memref<25x1x128xf32, #tpu.memory_space<vmem>> -> memref<25x128xf32, #tpu.memory_space<vmem>>
        tpu.enqueue_dma source(%dma_start3A_730 : memref<25x128xf32, #tpu.memory_space<vmem>>) target(%dma_start3A_726 : memref<25x128xf32, #tpu.memory_space<hbm>>) target_semaphore(%run_scoped3A_716 : memref<!tpu.dma_semaphore, #tpu.memory_space<semaphore_mem>>)
        %dma_wait3A_731 = arith.constant 0 : i32
        %dma_wait3A_732 = arith.constant 0 : i32
        %dma_wait3A_733 = tpu.memref_slice %arg5[%dma_wait3A_731, %run_scoped3A_708, %dma_wait3A_732] : memref<25x2x128xf32, #tpu.memory_space<vmem>> -> memref<25x1x128xf32, #tpu.memory_space<vmem>>
        %dma_wait3A_734 = tpu.memref_squeeze %dma_wait3A_733 : memref<25x1x128xf32, #tpu.memory_space<vmem>> -> memref<25x128xf32, #tpu.memory_space<vmem>>
        %dma_wait3A_735 = arith.constant 0 : i32
        %dma_wait3A_736 = tpu.memref_slice %arg4[%mul3A_705, %run_scoped3A_709, %add3A, %run_scoped3A_710, %dma_wait3A_735] : memref<200x2x32x8x128xf32, #tpu.memory_space<hbm>> -> memref<25x1x1x1x128xf32, #tpu.memory_space<hbm>>
        %dma_wait3A_737 = tpu.memref_squeeze %dma_wait3A_736 : memref<25x1x1x1x128xf32, #tpu.memory_space<hbm>> -> memref<25x128xf32, #tpu.memory_space<hbm>>
        %dma_wait3A_738 = arith.constant 0 : i32
        %dma_wait3A_739 = tpu.memref_slice %arg4[%mul3A_705, %run_scoped3A_709, %add3A, %run_scoped3A_710, %dma_wait3A_738] : memref<200x2x32x8x128xf32, #tpu.memory_space<hbm>> -> memref<25x1x1x1x128xf32, #tpu.memory_space<hbm>>
        %dma_wait3A_740 = tpu.memref_squeeze %dma_wait3A_739 : memref<25x1x1x1x128xf32, #tpu.memory_space<hbm>> -> memref<25x128xf32, #tpu.memory_space<hbm>>
        %dma_wait3A_741 = arith.constant 0 : i32
        %dma_wait3A_742 = arith.constant 0 : i32
        %dma_wait3A_743 = tpu.memref_slice %arg5[%dma_wait3A_741, %run_scoped3A_708, %dma_wait3A_742] : memref<25x2x128xf32, #tpu.memory_space<vmem>> -> memref<25x1x128xf32, #tpu.memory_space<vmem>>
        %dma_wait3A_744 = tpu.memref_squeeze %dma_wait3A_743 : memref<25x1x128xf32, #tpu.memory_space<vmem>> -> memref<25x128xf32, #tpu.memory_space<vmem>>
        tpu.wait_dma2 semaphore(%run_scoped3A_716 : memref<!tpu.dma_semaphore, #tpu.memory_space<semaphore_mem>>) src(%dma_wait3A_744 : memref<25x128xf32, #tpu.memory_space<vmem>>) dst(%dma_wait3A_740 : memref<25x128xf32, #tpu.memory_space<hbm>>)
        tpu.yield
      }) : () -> ()
      %scan3A_711 = arith.constant 0 : i32
      %scan3A_712 = arith.constant 25 : i32
      %scan3A_713 = arith.addi %scan3A_711, %scan3A_712 : i32
      %scan3A_714 = arith.constant 1 : i32
      scf.for %scan3A_716 = %scan3A_711 to %scan3A_713 step %scan3A_714  : i32 {
        %scan3A_717 = arith.constant 0 : i32
        %scan3A_718 = arith.constant 8 : i32
        %scan3A_719 = arith.addi %scan3A_717, %scan3A_718 : i32
        %scan3A_720 = arith.constant 1 : i32
        scf.for %scan3A_722 = %scan3A_717 to %scan3A_719 step %scan3A_720  : i32 {
          %mul3A_723 = arith.constant 16 : i32
          %mul3A_724 = arith.muli %mul3A_723, %scan3A_722 : i32
          %get3A = arith.constant 0 : i32
          %get3A_725 = arith.index_cast %scan3A_716 : i32 to index
          %get3A_726 = arith.index_cast %get3A : i32 to index
          %get3A_727 = arith.index_cast %mul3A_724 : i32 to index
          %get3A_728 = tpu.vector_load %arg5[%get3A_725, %get3A_726, %get3A_727] {strides = array<i32>} : memref<25x2x128xf32, #tpu.memory_space<vmem>>, vector<16xf32>,
          %convert_element_type3A = arith.fptosi %get3A_728 : vector<16xf32> to vector<16xi32>
          %add3A_729 = arith.addi %mul3A_705, %scan3A_716 : i32
          %mul3A_730 = arith.constant 16 : i32
          %mul3A_731 = arith.muli %mul3A_730, %scan3A_722 : i32
          %swap3A = arith.index_cast %add3A_729 : i32 to index
          %swap3A_732 = arith.index_cast %mul3A_731 : i32 to index
          %swap3A_733 = tpu.vector_load %arg6[%swap3A, %swap3A_732] {strides = array<i32>} : memref<200x128xi32, #tpu.memory_space<vmem>>, vector<16xi32>,
          tpu.vector_store %arg6[%swap3A, %swap3A_732], %convert_element_type3A {strides = array<i32>} : memref<200x128xi32, #tpu.memory_space<vmem>>, vector<16xi32>,
        }
        %scan3A_721 = arith.constant 8 : i32
      }
      %scan3A_715 = arith.constant 25 : i32
    }
    %scan3A_5 = arith.constant 8 : i32
    %mul3A_6 = arith.constant 62528 : i32
    %mul3A_7 = arith.muli %arg1, %mul3A_6 : i32
    %mul3A_8 = arith.constant 62528 : i32
    %mul3A_9 = arith.muli %arg1, %mul3A_8 : i32
    %dma_start3A = arith.constant 0 : i32
    %dma_start3A_10 = tpu.memref_slice %arg8[%mul3A_9] : memref<1000448xf32, #tpu.memory_space<vmem_shared>> -> memref<62528xf32, #tpu.memory_space<vmem_shared>>
    %dma_start3A_11 = tpu.memref_slice %arg2[%dma_start3A, %mul3A_7] : memref<16x1000448xf32, #tpu.memory_space<hbm>> -> memref<1x62528xf32, #tpu.memory_space<hbm>>
    %dma_start3A_12 = tpu.memref_squeeze %dma_start3A_11 : memref<1x62528xf32, #tpu.memory_space<hbm>> -> memref<62528xf32, #tpu.memory_space<hbm>>
    tpu.enqueue_dma source(%dma_start3A_12 : memref<62528xf32, #tpu.memory_space<hbm>>) target(%dma_start3A_10 : memref<62528xf32, #tpu.memory_space<vmem_shared>>) target_semaphore(%arg9 : memref<!tpu.dma_semaphore, #tpu.memory_space<semaphore_mem>>)
    %dma_wait3A = arith.constant 0 : i32
    %dma_wait3A_13 = tpu.memref_slice %arg8[%mul3A_9] : memref<1000448xf32, #tpu.memory_space<vmem_shared>> -> memref<62528xf32, #tpu.memory_space<vmem_shared>>
    %dma_wait3A_14 = tpu.memref_slice %arg2[%dma_wait3A, %mul3A_7] : memref<16x1000448xf32, #tpu.memory_space<hbm>> -> memref<1x62528xf32, #tpu.memory_space<hbm>>
    %dma_wait3A_15 = tpu.memref_squeeze %dma_wait3A_14 : memref<1x62528xf32, #tpu.memory_space<hbm>> -> memref<62528xf32, #tpu.memory_space<hbm>>
    tpu.wait_dma2 semaphore(%arg9 : memref<!tpu.dma_semaphore, #tpu.memory_space<semaphore_mem>>) src(%dma_wait3A_15 : memref<62528xf32, #tpu.memory_space<hbm>>) dst(%dma_wait3A_13 : memref<62528xf32, #tpu.memory_space<vmem_shared>>)
    %barrier3A = arith.constant 0 : index
    tpu.barrier barrier_id(%barrier3A)
    %scan3A_16 = arith.constant 0 : i32
    %scan3A_17 = arith.constant 0 : i32
    %scan3A_18 = arith.constant 200 : i32
    %scan3A_19 = arith.addi %scan3A_17, %scan3A_18 : i32
    %scan3A_20 = arith.constant 1 : i32
    scf.for %scan3A_703 = %scan3A_17 to %scan3A_19 step %scan3A_20  : i32 {
      %dma_start3A_704 = arith.constant 0 : i32
      %dma_start3A_705 = tpu.memref_slice %arg7[%scan3A_703, %dma_start3A_704] : memref<200x128xf32, #tpu.memory_space<vmem>> -> memref<1x128xf32, #tpu.memory_space<vmem>>
      %dma_start3A_706 = tpu.memref_squeeze %dma_start3A_705 : memref<1x128xf32, #tpu.memory_space<vmem>> -> memref<128xf32, #tpu.memory_space<vmem>>
      %dma_start3A_707 = arith.constant 0 : i32
      %dma_start3A_708 = tpu.memref_slice %arg6[%scan3A_703, %dma_start3A_707] : memref<200x128xi32, #tpu.memory_space<vmem>> -> memref<1x128xi32, #tpu.memory_space<vmem>>
      %dma_start3A_709 = tpu.memref_squeeze %dma_start3A_708 : memref<1x128xi32, #tpu.memory_space<vmem>> -> memref<128xi32, #tpu.memory_space<vmem>>
      %dma_start3A_710 = arith.constant 0 : i32
      %dma_start3A_711 = tpu.memref_slice %arg8[%dma_start3A_710] : memref<1000448xf32, #tpu.memory_space<vmem_shared>> -> memref<1000448xf32, #tpu.memory_space<vmem_shared>>
      tpu.enqueue_indirect_dma source(%dma_start3A_711 : memref<1000448xf32, #tpu.memory_space<vmem_shared>>) target(%dma_start3A_706 : memref<128xf32, #tpu.memory_space<vmem>>) offsets(%dma_start3A_709 : memref<128xi32, #tpu.memory_space<vmem>>) semaphore(%arg10 : memref<!tpu.dma_semaphore, #tpu.memory_space<semaphore_mem>>)
    }
    %scan3A_21 = arith.constant 200 : i32
    %dma_wait3A_22 = arith.constant 0 : i32
    %dma_wait3A_23 = arith.constant 0 : i32
    %dma_wait3A_24 = arith.constant 0 : i32
    %dma_wait3A_25 = arith.constant 0 : i32
    %dma_wait3A_26 = tpu.memref_slice %arg4[%dma_wait3A_24, %dma_wait3A_22, %add3A, %dma_wait3A_23, %dma_wait3A_25] : memref<200x2x32x8x128xf32, #tpu.memory_space<hbm>> -> memref<200x1x1x1x128xf32, #tpu.memory_space<hbm>>
    %dma_wait3A_27 = tpu.memref_squeeze %dma_wait3A_26 : memref<200x1x1x1x128xf32, #tpu.memory_space<hbm>> -> memref<200x128xf32, #tpu.memory_space<hbm>>
    %dma_wait3A_28 = arith.constant 0 : i32
    %dma_wait3A_29 = arith.constant 0 : i32
    %dma_wait3A_30 = tpu.memref_slice %arg4[%dma_wait3A_28, %dma_wait3A_22, %add3A, %dma_wait3A_23, %dma_wait3A_29] : memref<200x2x32x8x128xf32, #tpu.memory_space<hbm>> -> memref<200x1x1x1x128xf32, #tpu.memory_space<hbm>>
    %dma_wait3A_31 = tpu.memref_squeeze %dma_wait3A_30 : memref<200x1x1x1x128xf32, #tpu.memory_space<hbm>> -> memref<200x128xf32, #tpu.memory_space<hbm>>
    tpu.wait_dma2 semaphore(%arg10 : memref<!tpu.dma_semaphore, #tpu.memory_space<semaphore_mem>>) src(%arg7 : memref<200x128xf32, #tpu.memory_space<vmem>>) dst(%dma_wait3A_31 : memref<200x128xf32, #tpu.memory_space<hbm>>)
    %dma_start3A_32 = arith.constant 0 : i32
    %dma_start3A_33 = arith.constant 0 : i32
    %dma_start3A_34 = arith.constant 0 : i32
    %dma_start3A_35 = arith.constant 0 : i32
    %dma_start3A_36 = tpu.memref_slice %arg4[%dma_start3A_34, %dma_start3A_32, %add3A, %dma_start3A_33, %dma_start3A_35] : memref<200x2x32x8x128xf32, #tpu.memory_space<hbm>> -> memref<200x1x1x1x128xf32, #tpu.memory_space<hbm>>
    %dma_start3A_37 = tpu.memref_squeeze %dma_start3A_36 : memref<200x1x1x1x128xf32, #tpu.memory_space<hbm>> -> memref<200x128xf32, #tpu.memory_space<hbm>>
    %dma_start3A_38 = arith.constant 0 : i32
    %dma_start3A_39 = arith.constant 0 : i32
    %dma_start3A_40 = tpu.memref_slice %arg4[%dma_start3A_38, %dma_start3A_32, %add3A, %dma_start3A_33, %dma_start3A_39] : memref<200x2x32x8x128xf32, #tpu.memory_space<hbm>> -> memref<200x1x1x1x128xf32, #tpu.memory_space<hbm>>
    %dma_start3A_41 = tpu.memref_squeeze %dma_start3A_40 : memref<200x1x1x1x128xf32, #tpu.memory_space<hbm>> -> memref<200x128xf32, #tpu.memory_space<hbm>>
    tpu.enqueue_dma source(%arg7 : memref<200x128xf32, #tpu.memory_space<vmem>>) target(%dma_start3A_41 : memref<200x128xf32, #tpu.memory_space<hbm>>) target_semaphore(%arg11 : memref<!tpu.dma_semaphore, #tpu.memory_space<semaphore_mem>>)
    %barrier3A_42 = arith.constant 0 : index
    tpu.barrier barrier_id(%barrier3A_42)
    %mul3A_43 = arith.constant 62528 : i32
    %mul3A_44 = arith.muli %arg1, %mul3A_43 : i32
    %mul3A_45 = arith.constant 62528 : i32
    %mul3A_46 = arith.muli %arg1, %mul3A_45 : i32
    %dma_start3A_47 = arith.constant 1 : i32
    %dma_start3A_48 = tpu.memref_slice %arg8[%mul3A_46] : memref<1000448xf32, #tpu.memory_space<vmem_shared>> -> memref<62528xf32, #tpu.memory_space<vmem_shared>>
    %dma_start3A_49 = tpu.memref_slice %arg2[%dma_start3A_47, %mul3A_44] : memref<16x1000448xf32, #tpu.memory_space<hbm>> -> memref<1x62528xf32, #tpu.memory_space<hbm>>
    %dma_start3A_50 = tpu.memref_squeeze %dma_start3A_49 : memref<1x62528xf32, #tpu.memory_space<hbm>> -> memref<62528xf32, #tpu.memory_space<hbm>>
    tpu.enqueue_dma source(%dma_start3A_50 : memref<62528xf32, #tpu.memory_space<hbm>>) target(%dma_start3A_48 : memref<62528xf32, #tpu.memory_space<vmem_shared>>) target_semaphore(%arg9 : memref<!tpu.dma_semaphore, #tpu.memory_space<semaphore_mem>>)
    %dma_wait3A_51 = arith.constant 1 : i32
    %dma_wait3A_52 = tpu.memref_slice %arg8[%mul3A_46] : memref<1000448xf32, #tpu.memory_space<vmem_shared>> -> memref<62528xf32, #tpu.memory_space<vmem_shared>>
    %dma_wait3A_53 = tpu.memref_slice %arg2[%dma_wait3A_51, %mul3A_44] : memref<16x1000448xf32, #tpu.memory_space<hbm>> -> memref<1x62528xf32, #tpu.memory_space<hbm>>
    %dma_wait3A_54 = tpu.memref_squeeze %dma_wait3A_53 : memref<1x62528xf32, #tpu.memory_space<hbm>> -> memref<62528xf32, #tpu.memory_space<hbm>>
    tpu.wait_dma2 semaphore(%arg9 : memref<!tpu.dma_semaphore, #tpu.memory_space<semaphore_mem>>) src(%dma_wait3A_54 : memref<62528xf32, #tpu.memory_space<hbm>>) dst(%dma_wait3A_52 : memref<62528xf32, #tpu.memory_space<vmem_shared>>)
    %barrier3A_55 = arith.constant 0 : index
    tpu.barrier barrier_id(%barrier3A_55)
    %dma_wait3A_56 = arith.constant 0 : i32
    %dma_wait3A_57 = arith.constant 0 : i32
    %dma_wait3A_58 = arith.constant 0 : i32
    %dma_wait3A_59 = arith.constant 0 : i32
    %dma_wait3A_60 = tpu.memref_slice %arg4[%dma_wait3A_58, %dma_wait3A_56, %add3A, %dma_wait3A_57, %dma_wait3A_59] : memref<200x2x32x8x128xf32, #tpu.memory_space<hbm>> -> memref<200x1x1x1x128xf32, #tpu.memory_space<hbm>>
    %dma_wait3A_61 = tpu.memref_squeeze %dma_wait3A_60 : memref<200x1x1x1x128xf32, #tpu.memory_space<hbm>> -> memref<200x128xf32, #tpu.memory_space<hbm>>
    %dma_wait3A_62 = arith.constant 0 : i32
    %dma_wait3A_63 = arith.constant 0 : i32
    %dma_wait3A_64 = tpu.memref_slice %arg4[%dma_wait3A_62, %dma_wait3A_56, %add3A, %dma_wait3A_57, %dma_wait3A_63] : memref<200x2x32x8x128xf32, #tpu.memory_space<hbm>> -> memref<200x1x1x1x128xf32, #tpu.memory_space<hbm>>
    %dma_wait3A_65 = tpu.memref_squeeze %dma_wait3A_64 : memref<200x1x1x1x128xf32, #tpu.memory_space<hbm>> -> memref<200x128xf32, #tpu.memory_space<hbm>>
    tpu.wait_dma2 semaphore(%arg11 : memref<!tpu.dma_semaphore, #tpu.memory_space<semaphore_mem>>) src(%arg7 : memref<200x128xf32, #tpu.memory_space<vmem>>) dst(%dma_wait3A_65 : memref<200x128xf32, #tpu.memory_space<hbm>>)
    %scan3A_66 = arith.constant 0 : i32
    %scan3A_67 = arith.constant 0 : i32
    %scan3A_68 = arith.constant 200 : i32
    %scan3A_69 = arith.addi %scan3A_67, %scan3A_68 : i32
    %scan3A_70 = arith.constant 1 : i32
    scf.for %scan3A_703 = %scan3A_67 to %scan3A_69 step %scan3A_70  : i32 {
      %dma_start3A_704 = arith.constant 0 : i32
      %dma_start3A_705 = tpu.memref_slice %arg7[%scan3A_703, %dma_start3A_704] : memref<200x128xf32, #tpu.memory_space<vmem>> -> memref<1x128xf32, #tpu.memory_space<vmem>>
      %dma_start3A_706 = tpu.memref_squeeze %dma_start3A_705 : memref<1x128xf32, #tpu.memory_space<vmem>> -> memref<128xf32, #tpu.memory_space<vmem>>
      %dma_start3A_707 = arith.constant 0 : i32
      %dma_start3A_708 = tpu.memref_slice %arg6[%scan3A_703, %dma_start3A_707] : memref<200x128xi32, #tpu.memory_space<vmem>> -> memref<1x128xi32, #tpu.memory_space<vmem>>
      %dma_start3A_709 = tpu.memref_squeeze %dma_start3A_708 : memref<1x128xi32, #tpu.memory_space<vmem>> -> memref<128xi32, #tpu.memory_space<vmem>>
      %dma_start3A_710 = arith.constant 0 : i32
      %dma_start3A_711 = tpu.memref_slice %arg8[%dma_start3A_710] : memref<1000448xf32, #tpu.memory_space<vmem_shared>> -> memref<1000448xf32, #tpu.memory_space<vmem_shared>>
      tpu.enqueue_indirect_dma source(%dma_start3A_711 : memref<1000448xf32, #tpu.memory_space<vmem_shared>>) target(%dma_start3A_706 : memref<128xf32, #tpu.memory_space<vmem>>) offsets(%dma_start3A_709 : memref<128xi32, #tpu.memory_space<vmem>>) semaphore(%arg10 : memref<!tpu.dma_semaphore, #tpu.memory_space<semaphore_mem>>)
    }
    %scan3A_71 = arith.constant 200 : i32
    %dma_wait3A_72 = arith.constant 0 : i32
    %dma_wait3A_73 = arith.constant 0 : i32
    %dma_wait3A_74 = arith.constant 0 : i32
    %dma_wait3A_75 = arith.constant 0 : i32
    %dma_wait3A_76 = tpu.memref_slice %arg4[%dma_wait3A_74, %dma_wait3A_72, %add3A, %dma_wait3A_73, %dma_wait3A_75] : memref<200x2x32x8x128xf32, #tpu.memory_space<hbm>> -> memref<200x1x1x1x128xf32, #tpu.memory_space<hbm>>
    %dma_wait3A_77 = tpu.memref_squeeze %dma_wait3A_76 : memref<200x1x1x1x128xf32, #tpu.memory_space<hbm>> -> memref<200x128xf32, #tpu.memory_space<hbm>>
    %dma_wait3A_78 = arith.constant 0 : i32
    %dma_wait3A_79 = arith.constant 0 : i32
    %dma_wait3A_80 = tpu.memref_slice %arg4[%dma_wait3A_78, %dma_wait3A_72, %add3A, %dma_wait3A_73, %dma_wait3A_79] : memref<200x2x32x8x128xf32, #tpu.memory_space<hbm>> -> memref<200x1x1x1x128xf32, #tpu.memory_space<hbm>>
    %dma_wait3A_81 = tpu.memref_squeeze %dma_wait3A_80 : memref<200x1x1x1x128xf32, #tpu.memory_space<hbm>> -> memref<200x128xf32, #tpu.memory_space<hbm>>
    tpu.wait_dma2 semaphore(%arg10 : memref<!tpu.dma_semaphore, #tpu.memory_space<semaphore_mem>>) src(%arg7 : memref<200x128xf32, #tpu.memory_space<vmem>>) dst(%dma_wait3A_81 : memref<200x128xf32, #tpu.memory_space<hbm>>)
    %dma_start3A_82 = arith.constant 0 : i32
    %dma_start3A_83 = arith.constant 1 : i32
    %dma_start3A_84 = arith.constant 0 : i32
    %dma_start3A_85 = arith.constant 0 : i32
    %dma_start3A_86 = tpu.memref_slice %arg4[%dma_start3A_84, %dma_start3A_82, %add3A, %dma_start3A_83, %dma_start3A_85] : memref<200x2x32x8x128xf32, #tpu.memory_space<hbm>> -> memref<200x1x1x1x128xf32, #tpu.memory_space<hbm>>
    %dma_start3A_87 = tpu.memref_squeeze %dma_start3A_86 : memref<200x1x1x1x128xf32, #tpu.memory_space<hbm>> -> memref<200x128xf32, #tpu.memory_space<hbm>>
    %dma_start3A_88 = arith.constant 0 : i32
    %dma_start3A_89 = arith.constant 0 : i32
    %dma_start3A_90 = tpu.memref_slice %arg4[%dma_start3A_88, %dma_start3A_82, %add3A, %dma_start3A_83, %dma_start3A_89] : memref<200x2x32x8x128xf32, #tpu.memory_space<hbm>> -> memref<200x1x1x1x128xf32, #tpu.memory_space<hbm>>
    %dma_start3A_91 = tpu.memref_squeeze %dma_start3A_90 : memref<200x1x1x1x128xf32, #tpu.memory_space<hbm>> -> memref<200x128xf32, #tpu.memory_space<hbm>>
    tpu.enqueue_dma source(%arg7 : memref<200x128xf32, #tpu.memory_space<vmem>>) target(%dma_start3A_91 : memref<200x128xf32, #tpu.memory_space<hbm>>) target_semaphore(%arg11 : memref<!tpu.dma_semaphore, #tpu.memory_space<semaphore_mem>>)
    %barrier3A_92 = arith.constant 0 : index
    tpu.barrier barrier_id(%barrier3A_92)
    %mul3A_93 = arith.constant 62528 : i32
    %mul3A_94 = arith.muli %arg1, %mul3A_93 : i32
    %mul3A_95 = arith.constant 62528 : i32
    %mul3A_96 = arith.muli %arg1, %mul3A_95 : i32
    %dma_start3A_97 = arith.constant 2 : i32
    %dma_start3A_98 = tpu.memref_slice %arg8[%mul3A_96] : memref<1000448xf32, #tpu.memory_space<vmem_shared>> -> memref<62528xf32, #tpu.memory_space<vmem_shared>>
    %dma_start3A_99 = tpu.memref_slice %arg2[%dma_start3A_97, %mul3A_94] : memref<16x1000448xf32, #tpu.memory_space<hbm>> -> memref<1x62528xf32, #tpu.memory_space<hbm>>
    %dma_start3A_100 = tpu.memref_squeeze %dma_start3A_99 : memref<1x62528xf32, #tpu.memory_space<hbm>> -> memref<62528xf32, #tpu.memory_space<hbm>>
    tpu.enqueue_dma source(%dma_start3A_100 : memref<62528xf32, #tpu.memory_space<hbm>>) target(%dma_start3A_98 : memref<62528xf32, #tpu.memory_space<vmem_shared>>) target_semaphore(%arg9 : memref<!tpu.dma_semaphore, #tpu.memory_space<semaphore_mem>>)
    %dma_wait3A_101 = arith.constant 2 : i32
    %dma_wait3A_102 = tpu.memref_slice %arg8[%mul3A_96] : memref<1000448xf32, #tpu.memory_space<vmem_shared>> -> memref<62528xf32, #tpu.memory_space<vmem_shared>>
    %dma_wait3A_103 = tpu.memref_slice %arg2[%dma_wait3A_101, %mul3A_94] : memref<16x1000448xf32, #tpu.memory_space<hbm>> -> memref<1x62528xf32, #tpu.memory_space<hbm>>
    %dma_wait3A_104 = tpu.memref_squeeze %dma_wait3A_103 : memref<1x62528xf32, #tpu.memory_space<hbm>> -> memref<62528xf32, #tpu.memory_space<hbm>>
    tpu.wait_dma2 semaphore(%arg9 : memref<!tpu.dma_semaphore, #tpu.memory_space<semaphore_mem>>) src(%dma_wait3A_104 : memref<62528xf32, #tpu.memory_space<hbm>>) dst(%dma_wait3A_102 : memref<62528xf32, #tpu.memory_space<vmem_shared>>)
    %barrier3A_105 = arith.constant 0 : index
    tpu.barrier barrier_id(%barrier3A_105)
    %dma_wait3A_106 = arith.constant 0 : i32
    %dma_wait3A_107 = arith.constant 0 : i32
    %dma_wait3A_108 = arith.constant 0 : i32
    %dma_wait3A_109 = arith.constant 0 : i32
    %dma_wait3A_110 = tpu.memref_slice %arg4[%dma_wait3A_108, %dma_wait3A_106, %add3A, %dma_wait3A_107, %dma_wait3A_109] : memref<200x2x32x8x128xf32, #tpu.memory_space<hbm>> -> memref<200x1x1x1x128xf32, #tpu.memory_space<hbm>>
    %dma_wait3A_111 = tpu.memref_squeeze %dma_wait3A_110 : memref<200x1x1x1x128xf32, #tpu.memory_space<hbm>> -> memref<200x128xf32, #tpu.memory_space<hbm>>
    %dma_wait3A_112 = arith.constant 0 : i32
    %dma_wait3A_113 = arith.constant 0 : i32
    %dma_wait3A_114 = tpu.memref_slice %arg4[%dma_wait3A_112, %dma_wait3A_106, %add3A, %dma_wait3A_107, %dma_wait3A_113] : memref<200x2x32x8x128xf32, #tpu.memory_space<hbm>> -> memref<200x1x1x1x128xf32, #tpu.memory_space<hbm>>
    %dma_wait3A_115 = tpu.memref_squeeze %dma_wait3A_114 : memref<200x1x1x1x128xf32, #tpu.memory_space<hbm>> -> memref<200x128xf32, #tpu.memory_space<hbm>>
    tpu.wait_dma2 semaphore(%arg11 : memref<!tpu.dma_semaphore, #tpu.memory_space<semaphore_mem>>) src(%arg7 : memref<200x128xf32, #tpu.memory_space<vmem>>) dst(%dma_wait3A_115 : memref<200x128xf32, #tpu.memory_space<hbm>>)
    %scan3A_116 = arith.constant 0 : i32
    %scan3A_117 = arith.constant 0 : i32
    %scan3A_118 = arith.constant 200 : i32
    %scan3A_119 = arith.addi %scan3A_117, %scan3A_118 : i32
    %scan3A_120 = arith.constant 1 : i32
    scf.for %scan3A_703 = %scan3A_117 to %scan3A_119 step %scan3A_120  : i32 {
      %dma_start3A_704 = arith.constant 0 : i32
      %dma_start3A_705 = tpu.memref_slice %arg7[%scan3A_703, %dma_start3A_704] : memref<200x128xf32, #tpu.memory_space<vmem>> -> memref<1x128xf32, #tpu.memory_space<vmem>>
      %dma_start3A_706 = tpu.memref_squeeze %dma_start3A_705 : memref<1x128xf32, #tpu.memory_space<vmem>> -> memref<128xf32, #tpu.memory_space<vmem>>
      %dma_start3A_707 = arith.constant 0 : i32
      %dma_start3A_708 = tpu.memref_slice %arg6[%scan3A_703, %dma_start3A_707] : memref<200x128xi32, #tpu.memory_space<vmem>> -> memref<1x128xi32, #tpu.memory_space<vmem>>
      %dma_start3A_709 = tpu.memref_squeeze %dma_start3A_708 : memref<1x128xi32, #tpu.memory_space<vmem>> -> memref<128xi32, #tpu.memory_space<vmem>>
      %dma_start3A_710 = arith.constant 0 : i32
      %dma_start3A_711 = tpu.memref_slice %arg8[%dma_start3A_710] : memref<1000448xf32, #tpu.memory_space<vmem_shared>> -> memref<1000448xf32, #tpu.memory_space<vmem_shared>>
      tpu.enqueue_indirect_dma source(%dma_start3A_711 : memref<1000448xf32, #tpu.memory_space<vmem_shared>>) target(%dma_start3A_706 : memref<128xf32, #tpu.memory_space<vmem>>) offsets(%dma_start3A_709 : memref<128xi32, #tpu.memory_space<vmem>>) semaphore(%arg10 : memref<!tpu.dma_semaphore, #tpu.memory_space<semaphore_mem>>)
    }
    %scan3A_121 = arith.constant 200 : i32
    %dma_wait3A_122 = arith.constant 0 : i32
    %dma_wait3A_123 = arith.constant 0 : i32
    %dma_wait3A_124 = arith.constant 0 : i32
    %dma_wait3A_125 = arith.constant 0 : i32
    %dma_wait3A_126 = tpu.memref_slice %arg4[%dma_wait3A_124, %dma_wait3A_122, %add3A, %dma_wait3A_123, %dma_wait3A_125] : memref<200x2x32x8x128xf32, #tpu.memory_space<hbm>> -> memref<200x1x1x1x128xf32, #tpu.memory_space<hbm>>
    %dma_wait3A_127 = tpu.memref_squeeze %dma_wait3A_126 : memref<200x1x1x1x128xf32, #tpu.memory_space<hbm>> -> memref<200x128xf32, #tpu.memory_space<hbm>>
    %dma_wait3A_128 = arith.constant 0 : i32
    %dma_wait3A_129 = arith.constant 0 : i32
    %dma_wait3A_130 = tpu.memref_slice %arg4[%dma_wait3A_128, %dma_wait3A_122, %add3A, %dma_wait3A_123, %dma_wait3A_129] : memref<200x2x32x8x128xf32, #tpu.memory_space<hbm>> -> memref<200x1x1x1x128xf32, #tpu.memory_space<hbm>>
    %dma_wait3A_131 = tpu.memref_squeeze %dma_wait3A_130 : memref<200x1x1x1x128xf32, #tpu.memory_space<hbm>> -> memref<200x128xf32, #tpu.memory_space<hbm>>
    tpu.wait_dma2 semaphore(%arg10 : memref<!tpu.dma_semaphore, #tpu.memory_space<semaphore_mem>>) src(%arg7 : memref<200x128xf32, #tpu.memory_space<vmem>>) dst(%dma_wait3A_131 : memref<200x128xf32, #tpu.memory_space<hbm>>)
    %dma_start3A_132 = arith.constant 0 : i32
    %dma_start3A_133 = arith.constant 2 : i32
    %dma_start3A_134 = arith.constant 0 : i32
    %dma_start3A_135 = arith.constant 0 : i32
    %dma_start3A_136 = tpu.memref_slice %arg4[%dma_start3A_134, %dma_start3A_132, %add3A, %dma_start3A_133, %dma_start3A_135] : memref<200x2x32x8x128xf32, #tpu.memory_space<hbm>> -> memref<200x1x1x1x128xf32, #tpu.memory_space<hbm>>
    %dma_start3A_137 = tpu.memref_squeeze %dma_start3A_136 : memref<200x1x1x1x128xf32, #tpu.memory_space<hbm>> -> memref<200x128xf32, #tpu.memory_space<hbm>>
    %dma_start3A_138 = arith.constant 0 : i32
    %dma_start3A_139 = arith.constant 0 : i32
    %dma_start3A_140 = tpu.memref_slice %arg4[%dma_start3A_138, %dma_start3A_132, %add3A, %dma_start3A_133, %dma_start3A_139] : memref<200x2x32x8x128xf32, #tpu.memory_space<hbm>> -> memref<200x1x1x1x128xf32, #tpu.memory_space<hbm>>
    %dma_start3A_141 = tpu.memref_squeeze %dma_start3A_140 : memref<200x1x1x1x128xf32, #tpu.memory_space<hbm>> -> memref<200x128xf32, #tpu.memory_space<hbm>>
    tpu.enqueue_dma source(%arg7 : memref<200x128xf32, #tpu.memory_space<vmem>>) target(%dma_start3A_141 : memref<200x128xf32, #tpu.memory_space<hbm>>) target_semaphore(%arg11 : memref<!tpu.dma_semaphore, #tpu.memory_space<semaphore_mem>>)
    %barrier3A_142 = arith.constant 0 : index
    tpu.barrier barrier_id(%barrier3A_142)
    %mul3A_143 = arith.constant 62528 : i32
    %mul3A_144 = arith.muli %arg1, %mul3A_143 : i32
    %mul3A_145 = arith.constant 62528 : i32
    %mul3A_146 = arith.muli %arg1, %mul3A_145 : i32
    %dma_start3A_147 = arith.constant 3 : i32
    %dma_start3A_148 = tpu.memref_slice %arg8[%mul3A_146] : memref<1000448xf32, #tpu.memory_space<vmem_shared>> -> memref<62528xf32, #tpu.memory_space<vmem_shared>>
    %dma_start3A_149 = tpu.memref_slice %arg2[%dma_start3A_147, %mul3A_144] : memref<16x1000448xf32, #tpu.memory_space<hbm>> -> memref<1x62528xf32, #tpu.memory_space<hbm>>
    %dma_start3A_150 = tpu.memref_squeeze %dma_start3A_149 : memref<1x62528xf32, #tpu.memory_space<hbm>> -> memref<62528xf32, #tpu.memory_space<hbm>>
    tpu.enqueue_dma source(%dma_start3A_150 : memref<62528xf32, #tpu.memory_space<hbm>>) target(%dma_start3A_148 : memref<62528xf32, #tpu.memory_space<vmem_shared>>) target_semaphore(%arg9 : memref<!tpu.dma_semaphore, #tpu.memory_space<semaphore_mem>>)
    %dma_wait3A_151 = arith.constant 3 : i32
    %dma_wait3A_152 = tpu.memref_slice %arg8[%mul3A_146] : memref<1000448xf32, #tpu.memory_space<vmem_shared>> -> memref<62528xf32, #tpu.memory_space<vmem_shared>>
    %dma_wait3A_153 = tpu.memref_slice %arg2[%dma_wait3A_151, %mul3A_144] : memref<16x1000448xf32, #tpu.memory_space<hbm>> -> memref<1x62528xf32, #tpu.memory_space<hbm>>
    %dma_wait3A_154 = tpu.memref_squeeze %dma_wait3A_153 : memref<1x62528xf32, #tpu.memory_space<hbm>> -> memref<62528xf32, #tpu.memory_space<hbm>>
    tpu.wait_dma2 semaphore(%arg9 : memref<!tpu.dma_semaphore, #tpu.memory_space<semaphore_mem>>) src(%dma_wait3A_154 : memref<62528xf32, #tpu.memory_space<hbm>>) dst(%dma_wait3A_152 : memref<62528xf32, #tpu.memory_space<vmem_shared>>)
    %barrier3A_155 = arith.constant 0 : index
    tpu.barrier barrier_id(%barrier3A_155)
    %dma_wait3A_156 = arith.constant 0 : i32
    %dma_wait3A_157 = arith.constant 0 : i32
    %dma_wait3A_158 = arith.constant 0 : i32
    %dma_wait3A_159 = arith.constant 0 : i32
    %dma_wait3A_160 = tpu.memref_slice %arg4[%dma_wait3A_158, %dma_wait3A_156, %add3A, %dma_wait3A_157, %dma_wait3A_159] : memref<200x2x32x8x128xf32, #tpu.memory_space<hbm>> -> memref<200x1x1x1x128xf32, #tpu.memory_space<hbm>>
    %dma_wait3A_161 = tpu.memref_squeeze %dma_wait3A_160 : memref<200x1x1x1x128xf32, #tpu.memory_space<hbm>> -> memref<200x128xf32, #tpu.memory_space<hbm>>
    %dma_wait3A_162 = arith.constant 0 : i32
    %dma_wait3A_163 = arith.constant 0 : i32
    %dma_wait3A_164 = tpu.memref_slice %arg4[%dma_wait3A_162, %dma_wait3A_156, %add3A, %dma_wait3A_157, %dma_wait3A_163] : memref<200x2x32x8x128xf32, #tpu.memory_space<hbm>> -> memref<200x1x1x1x128xf32, #tpu.memory_space<hbm>>
    %dma_wait3A_165 = tpu.memref_squeeze %dma_wait3A_164 : memref<200x1x1x1x128xf32, #tpu.memory_space<hbm>> -> memref<200x128xf32, #tpu.memory_space<hbm>>
    tpu.wait_dma2 semaphore(%arg11 : memref<!tpu.dma_semaphore, #tpu.memory_space<semaphore_mem>>) src(%arg7 : memref<200x128xf32, #tpu.memory_space<vmem>>) dst(%dma_wait3A_165 : memref<200x128xf32, #tpu.memory_space<hbm>>)
    %scan3A_166 = arith.constant 0 : i32
    %scan3A_167 = arith.constant 0 : i32
    %scan3A_168 = arith.constant 200 : i32
    %scan3A_169 = arith.addi %scan3A_167, %scan3A_168 : i32
    %scan3A_170 = arith.constant 1 : i32
    scf.for %scan3A_703 = %scan3A_167 to %scan3A_169 step %scan3A_170  : i32 {
      %dma_start3A_704 = arith.constant 0 : i32
      %dma_start3A_705 = tpu.memref_slice %arg7[%scan3A_703, %dma_start3A_704] : memref<200x128xf32, #tpu.memory_space<vmem>> -> memref<1x128xf32, #tpu.memory_space<vmem>>
      %dma_start3A_706 = tpu.memref_squeeze %dma_start3A_705 : memref<1x128xf32, #tpu.memory_space<vmem>> -> memref<128xf32, #tpu.memory_space<vmem>>
      %dma_start3A_707 = arith.constant 0 : i32
      %dma_start3A_708 = tpu.memref_slice %arg6[%scan3A_703, %dma_start3A_707] : memref<200x128xi32, #tpu.memory_space<vmem>> -> memref<1x128xi32, #tpu.memory_space<vmem>>
      %dma_start3A_709 = tpu.memref_squeeze %dma_start3A_708 : memref<1x128xi32, #tpu.memory_space<vmem>> -> memref<128xi32, #tpu.memory_space<vmem>>
      %dma_start3A_710 = arith.constant 0 : i32
      %dma_start3A_711 = tpu.memref_slice %arg8[%dma_start3A_710] : memref<1000448xf32, #tpu.memory_space<vmem_shared>> -> memref<1000448xf32, #tpu.memory_space<vmem_shared>>
      tpu.enqueue_indirect_dma source(%dma_start3A_711 : memref<1000448xf32, #tpu.memory_space<vmem_shared>>) target(%dma_start3A_706 : memref<128xf32, #tpu.memory_space<vmem>>) offsets(%dma_start3A_709 : memref<128xi32, #tpu.memory_space<vmem>>) semaphore(%arg10 : memref<!tpu.dma_semaphore, #tpu.memory_space<semaphore_mem>>)
    }
    %scan3A_171 = arith.constant 200 : i32
    %dma_wait3A_172 = arith.constant 0 : i32
    %dma_wait3A_173 = arith.constant 0 : i32
    %dma_wait3A_174 = arith.constant 0 : i32
    %dma_wait3A_175 = arith.constant 0 : i32
    %dma_wait3A_176 = tpu.memref_slice %arg4[%dma_wait3A_174, %dma_wait3A_172, %add3A, %dma_wait3A_173, %dma_wait3A_175] : memref<200x2x32x8x128xf32, #tpu.memory_space<hbm>> -> memref<200x1x1x1x128xf32, #tpu.memory_space<hbm>>
    %dma_wait3A_177 = tpu.memref_squeeze %dma_wait3A_176 : memref<200x1x1x1x128xf32, #tpu.memory_space<hbm>> -> memref<200x128xf32, #tpu.memory_space<hbm>>
    %dma_wait3A_178 = arith.constant 0 : i32
    %dma_wait3A_179 = arith.constant 0 : i32
    %dma_wait3A_180 = tpu.memref_slice %arg4[%dma_wait3A_178, %dma_wait3A_172, %add3A, %dma_wait3A_173, %dma_wait3A_179] : memref<200x2x32x8x128xf32, #tpu.memory_space<hbm>> -> memref<200x1x1x1x128xf32, #tpu.memory_space<hbm>>
    %dma_wait3A_181 = tpu.memref_squeeze %dma_wait3A_180 : memref<200x1x1x1x128xf32, #tpu.memory_space<hbm>> -> memref<200x128xf32, #tpu.memory_space<hbm>>
    tpu.wait_dma2 semaphore(%arg10 : memref<!tpu.dma_semaphore, #tpu.memory_space<semaphore_mem>>) src(%arg7 : memref<200x128xf32, #tpu.memory_space<vmem>>) dst(%dma_wait3A_181 : memref<200x128xf32, #tpu.memory_space<hbm>>)
    %dma_start3A_182 = arith.constant 0 : i32
    %dma_start3A_183 = arith.constant 3 : i32
    %dma_start3A_184 = arith.constant 0 : i32
    %dma_start3A_185 = arith.constant 0 : i32
    %dma_start3A_186 = tpu.memref_slice %arg4[%dma_start3A_184, %dma_start3A_182, %add3A, %dma_start3A_183, %dma_start3A_185] : memref<200x2x32x8x128xf32, #tpu.memory_space<hbm>> -> memref<200x1x1x1x128xf32, #tpu.memory_space<hbm>>
    %dma_start3A_187 = tpu.memref_squeeze %dma_start3A_186 : memref<200x1x1x1x128xf32, #tpu.memory_space<hbm>> -> memref<200x128xf32, #tpu.memory_space<hbm>>
    %dma_start3A_188 = arith.constant 0 : i32
    %dma_start3A_189 = arith.constant 0 : i32
    %dma_start3A_190 = tpu.memref_slice %arg4[%dma_start3A_188, %dma_start3A_182, %add3A, %dma_start3A_183, %dma_start3A_189] : memref<200x2x32x8x128xf32, #tpu.memory_space<hbm>> -> memref<200x1x1x1x128xf32, #tpu.memory_space<hbm>>
    %dma_start3A_191 = tpu.memref_squeeze %dma_start3A_190 : memref<200x1x1x1x128xf32, #tpu.memory_space<hbm>> -> memref<200x128xf32, #tpu.memory_space<hbm>>
    tpu.enqueue_dma source(%arg7 : memref<200x128xf32, #tpu.memory_space<vmem>>) target(%dma_start3A_191 : memref<200x128xf32, #tpu.memory_space<hbm>>) target_semaphore(%arg11 : memref<!tpu.dma_semaphore, #tpu.memory_space<semaphore_mem>>)
    %barrier3A_192 = arith.constant 0 : index
    tpu.barrier barrier_id(%barrier3A_192)
    %mul3A_193 = arith.constant 62528 : i32
    %mul3A_194 = arith.muli %arg1, %mul3A_193 : i32
    %mul3A_195 = arith.constant 62528 : i32
    %mul3A_196 = arith.muli %arg1, %mul3A_195 : i32
    %dma_start3A_197 = arith.constant 4 : i32
    %dma_start3A_198 = tpu.memref_slice %arg8[%mul3A_196] : memref<1000448xf32, #tpu.memory_space<vmem_shared>> -> memref<62528xf32, #tpu.memory_space<vmem_shared>>
    %dma_start3A_199 = tpu.memref_slice %arg2[%dma_start3A_197, %mul3A_194] : memref<16x1000448xf32, #tpu.memory_space<hbm>> -> memref<1x62528xf32, #tpu.memory_space<hbm>>
    %dma_start3A_200 = tpu.memref_squeeze %dma_start3A_199 : memref<1x62528xf32, #tpu.memory_space<hbm>> -> memref<62528xf32, #tpu.memory_space<hbm>>
    tpu.enqueue_dma source(%dma_start3A_200 : memref<62528xf32, #tpu.memory_space<hbm>>) target(%dma_start3A_198 : memref<62528xf32, #tpu.memory_space<vmem_shared>>) target_semaphore(%arg9 : memref<!tpu.dma_semaphore, #tpu.memory_space<semaphore_mem>>)
    %dma_wait3A_201 = arith.constant 4 : i32
    %dma_wait3A_202 = tpu.memref_slice %arg8[%mul3A_196] : memref<1000448xf32, #tpu.memory_space<vmem_shared>> -> memref<62528xf32, #tpu.memory_space<vmem_shared>>
    %dma_wait3A_203 = tpu.memref_slice %arg2[%dma_wait3A_201, %mul3A_194] : memref<16x1000448xf32, #tpu.memory_space<hbm>> -> memref<1x62528xf32, #tpu.memory_space<hbm>>
    %dma_wait3A_204 = tpu.memref_squeeze %dma_wait3A_203 : memref<1x62528xf32, #tpu.memory_space<hbm>> -> memref<62528xf32, #tpu.memory_space<hbm>>
    tpu.wait_dma2 semaphore(%arg9 : memref<!tpu.dma_semaphore, #tpu.memory_space<semaphore_mem>>) src(%dma_wait3A_204 : memref<62528xf32, #tpu.memory_space<hbm>>) dst(%dma_wait3A_202 : memref<62528xf32, #tpu.memory_space<vmem_shared>>)
    %barrier3A_205 = arith.constant 0 : index
    tpu.barrier barrier_id(%barrier3A_205)
    %dma_wait3A_206 = arith.constant 0 : i32
    %dma_wait3A_207 = arith.constant 0 : i32
    %dma_wait3A_208 = arith.constant 0 : i32
    %dma_wait3A_209 = arith.constant 0 : i32
    %dma_wait3A_210 = tpu.memref_slice %arg4[%dma_wait3A_208, %dma_wait3A_206, %add3A, %dma_wait3A_207, %dma_wait3A_209] : memref<200x2x32x8x128xf32, #tpu.memory_space<hbm>> -> memref<200x1x1x1x128xf32, #tpu.memory_space<hbm>>
    %dma_wait3A_211 = tpu.memref_squeeze %dma_wait3A_210 : memref<200x1x1x1x128xf32, #tpu.memory_space<hbm>> -> memref<200x128xf32, #tpu.memory_space<hbm>>
    %dma_wait3A_212 = arith.constant 0 : i32
    %dma_wait3A_213 = arith.constant 0 : i32
    %dma_wait3A_214 = tpu.memref_slice %arg4[%dma_wait3A_212, %dma_wait3A_206, %add3A, %dma_wait3A_207, %dma_wait3A_213] : memref<200x2x32x8x128xf32, #tpu.memory_space<hbm>> -> memref<200x1x1x1x128xf32, #tpu.memory_space<hbm>>
    %dma_wait3A_215 = tpu.memref_squeeze %dma_wait3A_214 : memref<200x1x1x1x128xf32, #tpu.memory_space<hbm>> -> memref<200x128xf32, #tpu.memory_space<hbm>>
    tpu.wait_dma2 semaphore(%arg11 : memref<!tpu.dma_semaphore, #tpu.memory_space<semaphore_mem>>) src(%arg7 : memref<200x128xf32, #tpu.memory_space<vmem>>) dst(%dma_wait3A_215 : memref<200x128xf32, #tpu.memory_space<hbm>>)
    %scan3A_216 = arith.constant 0 : i32
    %scan3A_217 = arith.constant 0 : i32
    %scan3A_218 = arith.constant 200 : i32
    %scan3A_219 = arith.addi %scan3A_217, %scan3A_218 : i32
    %scan3A_220 = arith.constant 1 : i32
    scf.for %scan3A_703 = %scan3A_217 to %scan3A_219 step %scan3A_220  : i32 {
      %dma_start3A_704 = arith.constant 0 : i32
      %dma_start3A_705 = tpu.memref_slice %arg7[%scan3A_703, %dma_start3A_704] : memref<200x128xf32, #tpu.memory_space<vmem>> -> memref<1x128xf32, #tpu.memory_space<vmem>>
      %dma_start3A_706 = tpu.memref_squeeze %dma_start3A_705 : memref<1x128xf32, #tpu.memory_space<vmem>> -> memref<128xf32, #tpu.memory_space<vmem>>
      %dma_start3A_707 = arith.constant 0 : i32
      %dma_start3A_708 = tpu.memref_slice %arg6[%scan3A_703, %dma_start3A_707] : memref<200x128xi32, #tpu.memory_space<vmem>> -> memref<1x128xi32, #tpu.memory_space<vmem>>
      %dma_start3A_709 = tpu.memref_squeeze %dma_start3A_708 : memref<1x128xi32, #tpu.memory_space<vmem>> -> memref<128xi32, #tpu.memory_space<vmem>>
      %dma_start3A_710 = arith.constant 0 : i32
      %dma_start3A_711 = tpu.memref_slice %arg8[%dma_start3A_710] : memref<1000448xf32, #tpu.memory_space<vmem_shared>> -> memref<1000448xf32, #tpu.memory_space<vmem_shared>>
      tpu.enqueue_indirect_dma source(%dma_start3A_711 : memref<1000448xf32, #tpu.memory_space<vmem_shared>>) target(%dma_start3A_706 : memref<128xf32, #tpu.memory_space<vmem>>) offsets(%dma_start3A_709 : memref<128xi32, #tpu.memory_space<vmem>>) semaphore(%arg10 : memref<!tpu.dma_semaphore, #tpu.memory_space<semaphore_mem>>)
    }
    %scan3A_221 = arith.constant 200 : i32
    %dma_wait3A_222 = arith.constant 0 : i32
    %dma_wait3A_223 = arith.constant 0 : i32
    %dma_wait3A_224 = arith.constant 0 : i32
    %dma_wait3A_225 = arith.constant 0 : i32
    %dma_wait3A_226 = tpu.memref_slice %arg4[%dma_wait3A_224, %dma_wait3A_222, %add3A, %dma_wait3A_223, %dma_wait3A_225] : memref<200x2x32x8x128xf32, #tpu.memory_space<hbm>> -> memref<200x1x1x1x128xf32, #tpu.memory_space<hbm>>
    %dma_wait3A_227 = tpu.memref_squeeze %dma_wait3A_226 : memref<200x1x1x1x128xf32, #tpu.memory_space<hbm>> -> memref<200x128xf32, #tpu.memory_space<hbm>>
    %dma_wait3A_228 = arith.constant 0 : i32
    %dma_wait3A_229 = arith.constant 0 : i32
    %dma_wait3A_230 = tpu.memref_slice %arg4[%dma_wait3A_228, %dma_wait3A_222, %add3A, %dma_wait3A_223, %dma_wait3A_229] : memref<200x2x32x8x128xf32, #tpu.memory_space<hbm>> -> memref<200x1x1x1x128xf32, #tpu.memory_space<hbm>>
    %dma_wait3A_231 = tpu.memref_squeeze %dma_wait3A_230 : memref<200x1x1x1x128xf32, #tpu.memory_space<hbm>> -> memref<200x128xf32, #tpu.memory_space<hbm>>
    tpu.wait_dma2 semaphore(%arg10 : memref<!tpu.dma_semaphore, #tpu.memory_space<semaphore_mem>>) src(%arg7 : memref<200x128xf32, #tpu.memory_space<vmem>>) dst(%dma_wait3A_231 : memref<200x128xf32, #tpu.memory_space<hbm>>)
    %dma_start3A_232 = arith.constant 0 : i32
    %dma_start3A_233 = arith.constant 4 : i32
    %dma_start3A_234 = arith.constant 0 : i32
    %dma_start3A_235 = arith.constant 0 : i32
    %dma_start3A_236 = tpu.memref_slice %arg4[%dma_start3A_234, %dma_start3A_232, %add3A, %dma_start3A_233, %dma_start3A_235] : memref<200x2x32x8x128xf32, #tpu.memory_space<hbm>> -> memref<200x1x1x1x128xf32, #tpu.memory_space<hbm>>
    %dma_start3A_237 = tpu.memref_squeeze %dma_start3A_236 : memref<200x1x1x1x128xf32, #tpu.memory_space<hbm>> -> memref<200x128xf32, #tpu.memory_space<hbm>>
    %dma_start3A_238 = arith.constant 0 : i32
    %dma_start3A_239 = arith.constant 0 : i32
    %dma_start3A_240 = tpu.memref_slice %arg4[%dma_start3A_238, %dma_start3A_232, %add3A, %dma_start3A_233, %dma_start3A_239] : memref<200x2x32x8x128xf32, #tpu.memory_space<hbm>> -> memref<200x1x1x1x128xf32, #tpu.memory_space<hbm>>
    %dma_start3A_241 = tpu.memref_squeeze %dma_start3A_240 : memref<200x1x1x1x128xf32, #tpu.memory_space<hbm>> -> memref<200x128xf32, #tpu.memory_space<hbm>>
    tpu.enqueue_dma source(%arg7 : memref<200x128xf32, #tpu.memory_space<vmem>>) target(%dma_start3A_241 : memref<200x128xf32, #tpu.memory_space<hbm>>) target_semaphore(%arg11 : memref<!tpu.dma_semaphore, #tpu.memory_space<semaphore_mem>>)
    %barrier3A_242 = arith.constant 0 : index
    tpu.barrier barrier_id(%barrier3A_242)
    %mul3A_243 = arith.constant 62528 : i32
    %mul3A_244 = arith.muli %arg1, %mul3A_243 : i32
    %mul3A_245 = arith.constant 62528 : i32
    %mul3A_246 = arith.muli %arg1, %mul3A_245 : i32
    %dma_start3A_247 = arith.constant 5 : i32
    %dma_start3A_248 = tpu.memref_slice %arg8[%mul3A_246] : memref<1000448xf32, #tpu.memory_space<vmem_shared>> -> memref<62528xf32, #tpu.memory_space<vmem_shared>>
    %dma_start3A_249 = tpu.memref_slice %arg2[%dma_start3A_247, %mul3A_244] : memref<16x1000448xf32, #tpu.memory_space<hbm>> -> memref<1x62528xf32, #tpu.memory_space<hbm>>
    %dma_start3A_250 = tpu.memref_squeeze %dma_start3A_249 : memref<1x62528xf32, #tpu.memory_space<hbm>> -> memref<62528xf32, #tpu.memory_space<hbm>>
    tpu.enqueue_dma source(%dma_start3A_250 : memref<62528xf32, #tpu.memory_space<hbm>>) target(%dma_start3A_248 : memref<62528xf32, #tpu.memory_space<vmem_shared>>) target_semaphore(%arg9 : memref<!tpu.dma_semaphore, #tpu.memory_space<semaphore_mem>>)
    %dma_wait3A_251 = arith.constant 5 : i32
    %dma_wait3A_252 = tpu.memref_slice %arg8[%mul3A_246] : memref<1000448xf32, #tpu.memory_space<vmem_shared>> -> memref<62528xf32, #tpu.memory_space<vmem_shared>>
    %dma_wait3A_253 = tpu.memref_slice %arg2[%dma_wait3A_251, %mul3A_244] : memref<16x1000448xf32, #tpu.memory_space<hbm>> -> memref<1x62528xf32, #tpu.memory_space<hbm>>
    %dma_wait3A_254 = tpu.memref_squeeze %dma_wait3A_253 : memref<1x62528xf32, #tpu.memory_space<hbm>> -> memref<62528xf32, #tpu.memory_space<hbm>>
    tpu.wait_dma2 semaphore(%arg9 : memref<!tpu.dma_semaphore, #tpu.memory_space<semaphore_mem>>) src(%dma_wait3A_254 : memref<62528xf32, #tpu.memory_space<hbm>>) dst(%dma_wait3A_252 : memref<62528xf32, #tpu.memory_space<vmem_shared>>)
    %barrier3A_255 = arith.constant 0 : index
    tpu.barrier barrier_id(%barrier3A_255)
    %dma_wait3A_256 = arith.constant 0 : i32
    %dma_wait3A_257 = arith.constant 0 : i32
    %dma_wait3A_258 = arith.constant 0 : i32
    %dma_wait3A_259 = arith.constant 0 : i32
    %dma_wait3A_260 = tpu.memref_slice %arg4[%dma_wait3A_258, %dma_wait3A_256, %add3A, %dma_wait3A_257, %dma_wait3A_259] : memref<200x2x32x8x128xf32, #tpu.memory_space<hbm>> -> memref<200x1x1x1x128xf32, #tpu.memory_space<hbm>>
    %dma_wait3A_261 = tpu.memref_squeeze %dma_wait3A_260 : memref<200x1x1x1x128xf32, #tpu.memory_space<hbm>> -> memref<200x128xf32, #tpu.memory_space<hbm>>
    %dma_wait3A_262 = arith.constant 0 : i32
    %dma_wait3A_263 = arith.constant 0 : i32
    %dma_wait3A_264 = tpu.memref_slice %arg4[%dma_wait3A_262, %dma_wait3A_256, %add3A, %dma_wait3A_257, %dma_wait3A_263] : memref<200x2x32x8x128xf32, #tpu.memory_space<hbm>> -> memref<200x1x1x1x128xf32, #tpu.memory_space<hbm>>
    %dma_wait3A_265 = tpu.memref_squeeze %dma_wait3A_264 : memref<200x1x1x1x128xf32, #tpu.memory_space<hbm>> -> memref<200x128xf32, #tpu.memory_space<hbm>>
    tpu.wait_dma2 semaphore(%arg11 : memref<!tpu.dma_semaphore, #tpu.memory_space<semaphore_mem>>) src(%arg7 : memref<200x128xf32, #tpu.memory_space<vmem>>) dst(%dma_wait3A_265 : memref<200x128xf32, #tpu.memory_space<hbm>>)
    %scan3A_266 = arith.constant 0 : i32
    %scan3A_267 = arith.constant 0 : i32
    %scan3A_268 = arith.constant 200 : i32
    %scan3A_269 = arith.addi %scan3A_267, %scan3A_268 : i32
    %scan3A_270 = arith.constant 1 : i32
    scf.for %scan3A_703 = %scan3A_267 to %scan3A_269 step %scan3A_270  : i32 {
      %dma_start3A_704 = arith.constant 0 : i32
      %dma_start3A_705 = tpu.memref_slice %arg7[%scan3A_703, %dma_start3A_704] : memref<200x128xf32, #tpu.memory_space<vmem>> -> memref<1x128xf32, #tpu.memory_space<vmem>>
      %dma_start3A_706 = tpu.memref_squeeze %dma_start3A_705 : memref<1x128xf32, #tpu.memory_space<vmem>> -> memref<128xf32, #tpu.memory_space<vmem>>
      %dma_start3A_707 = arith.constant 0 : i32
      %dma_start3A_708 = tpu.memref_slice %arg6[%scan3A_703, %dma_start3A_707] : memref<200x128xi32, #tpu.memory_space<vmem>> -> memref<1x128xi32, #tpu.memory_space<vmem>>
      %dma_start3A_709 = tpu.memref_squeeze %dma_start3A_708 : memref<1x128xi32, #tpu.memory_space<vmem>> -> memref<128xi32, #tpu.memory_space<vmem>>
      %dma_start3A_710 = arith.constant 0 : i32
      %dma_start3A_711 = tpu.memref_slice %arg8[%dma_start3A_710] : memref<1000448xf32, #tpu.memory_space<vmem_shared>> -> memref<1000448xf32, #tpu.memory_space<vmem_shared>>
      tpu.enqueue_indirect_dma source(%dma_start3A_711 : memref<1000448xf32, #tpu.memory_space<vmem_shared>>) target(%dma_start3A_706 : memref<128xf32, #tpu.memory_space<vmem>>) offsets(%dma_start3A_709 : memref<128xi32, #tpu.memory_space<vmem>>) semaphore(%arg10 : memref<!tpu.dma_semaphore, #tpu.memory_space<semaphore_mem>>)
    }
    %scan3A_271 = arith.constant 200 : i32
    %dma_wait3A_272 = arith.constant 0 : i32
    %dma_wait3A_273 = arith.constant 0 : i32
    %dma_wait3A_274 = arith.constant 0 : i32
    %dma_wait3A_275 = arith.constant 0 : i32
    %dma_wait3A_276 = tpu.memref_slice %arg4[%dma_wait3A_274, %dma_wait3A_272, %add3A, %dma_wait3A_273, %dma_wait3A_275] : memref<200x2x32x8x128xf32, #tpu.memory_space<hbm>> -> memref<200x1x1x1x128xf32, #tpu.memory_space<hbm>>
    %dma_wait3A_277 = tpu.memref_squeeze %dma_wait3A_276 : memref<200x1x1x1x128xf32, #tpu.memory_space<hbm>> -> memref<200x128xf32, #tpu.memory_space<hbm>>
    %dma_wait3A_278 = arith.constant 0 : i32
    %dma_wait3A_279 = arith.constant 0 : i32
    %dma_wait3A_280 = tpu.memref_slice %arg4[%dma_wait3A_278, %dma_wait3A_272, %add3A, %dma_wait3A_273, %dma_wait3A_279] : memref<200x2x32x8x128xf32, #tpu.memory_space<hbm>> -> memref<200x1x1x1x128xf32, #tpu.memory_space<hbm>>
    %dma_wait3A_281 = tpu.memref_squeeze %dma_wait3A_280 : memref<200x1x1x1x128xf32, #tpu.memory_space<hbm>> -> memref<200x128xf32, #tpu.memory_space<hbm>>
    tpu.wait_dma2 semaphore(%arg10 : memref<!tpu.dma_semaphore, #tpu.memory_space<semaphore_mem>>) src(%arg7 : memref<200x128xf32, #tpu.memory_space<vmem>>) dst(%dma_wait3A_281 : memref<200x128xf32, #tpu.memory_space<hbm>>)
    %dma_start3A_282 = arith.constant 0 : i32
    %dma_start3A_283 = arith.constant 5 : i32
    %dma_start3A_284 = arith.constant 0 : i32
    %dma_start3A_285 = arith.constant 0 : i32
    %dma_start3A_286 = tpu.memref_slice %arg4[%dma_start3A_284, %dma_start3A_282, %add3A, %dma_start3A_283, %dma_start3A_285] : memref<200x2x32x8x128xf32, #tpu.memory_space<hbm>> -> memref<200x1x1x1x128xf32, #tpu.memory_space<hbm>>
    %dma_start3A_287 = tpu.memref_squeeze %dma_start3A_286 : memref<200x1x1x1x128xf32, #tpu.memory_space<hbm>> -> memref<200x128xf32, #tpu.memory_space<hbm>>
    %dma_start3A_288 = arith.constant 0 : i32
    %dma_start3A_289 = arith.constant 0 : i32
    %dma_start3A_290 = tpu.memref_slice %arg4[%dma_start3A_288, %dma_start3A_282, %add3A, %dma_start3A_283, %dma_start3A_289] : memref<200x2x32x8x128xf32, #tpu.memory_space<hbm>> -> memref<200x1x1x1x128xf32, #tpu.memory_space<hbm>>
    %dma_start3A_291 = tpu.memref_squeeze %dma_start3A_290 : memref<200x1x1x1x128xf32, #tpu.memory_space<hbm>> -> memref<200x128xf32, #tpu.memory_space<hbm>>
    tpu.enqueue_dma source(%arg7 : memref<200x128xf32, #tpu.memory_space<vmem>>) target(%dma_start3A_291 : memref<200x128xf32, #tpu.memory_space<hbm>>) target_semaphore(%arg11 : memref<!tpu.dma_semaphore, #tpu.memory_space<semaphore_mem>>)
    %barrier3A_292 = arith.constant 0 : index
    tpu.barrier barrier_id(%barrier3A_292)
    %mul3A_293 = arith.constant 62528 : i32
    %mul3A_294 = arith.muli %arg1, %mul3A_293 : i32
    %mul3A_295 = arith.constant 62528 : i32
    %mul3A_296 = arith.muli %arg1, %mul3A_295 : i32
    %dma_start3A_297 = arith.constant 6 : i32
    %dma_start3A_298 = tpu.memref_slice %arg8[%mul3A_296] : memref<1000448xf32, #tpu.memory_space<vmem_shared>> -> memref<62528xf32, #tpu.memory_space<vmem_shared>>
    %dma_start3A_299 = tpu.memref_slice %arg2[%dma_start3A_297, %mul3A_294] : memref<16x1000448xf32, #tpu.memory_space<hbm>> -> memref<1x62528xf32, #tpu.memory_space<hbm>>
    %dma_start3A_300 = tpu.memref_squeeze %dma_start3A_299 : memref<1x62528xf32, #tpu.memory_space<hbm>> -> memref<62528xf32, #tpu.memory_space<hbm>>
    tpu.enqueue_dma source(%dma_start3A_300 : memref<62528xf32, #tpu.memory_space<hbm>>) target(%dma_start3A_298 : memref<62528xf32, #tpu.memory_space<vmem_shared>>) target_semaphore(%arg9 : memref<!tpu.dma_semaphore, #tpu.memory_space<semaphore_mem>>)
    %dma_wait3A_301 = arith.constant 6 : i32
    %dma_wait3A_302 = tpu.memref_slice %arg8[%mul3A_296] : memref<1000448xf32, #tpu.memory_space<vmem_shared>> -> memref<62528xf32, #tpu.memory_space<vmem_shared>>
    %dma_wait3A_303 = tpu.memref_slice %arg2[%dma_wait3A_301, %mul3A_294] : memref<16x1000448xf32, #tpu.memory_space<hbm>> -> memref<1x62528xf32, #tpu.memory_space<hbm>>
    %dma_wait3A_304 = tpu.memref_squeeze %dma_wait3A_303 : memref<1x62528xf32, #tpu.memory_space<hbm>> -> memref<62528xf32, #tpu.memory_space<hbm>>
    tpu.wait_dma2 semaphore(%arg9 : memref<!tpu.dma_semaphore, #tpu.memory_space<semaphore_mem>>) src(%dma_wait3A_304 : memref<62528xf32, #tpu.memory_space<hbm>>) dst(%dma_wait3A_302 : memref<62528xf32, #tpu.memory_space<vmem_shared>>)
    %barrier3A_305 = arith.constant 0 : index
    tpu.barrier barrier_id(%barrier3A_305)
    %dma_wait3A_306 = arith.constant 0 : i32
    %dma_wait3A_307 = arith.constant 0 : i32
    %dma_wait3A_308 = arith.constant 0 : i32
    %dma_wait3A_309 = arith.constant 0 : i32
    %dma_wait3A_310 = tpu.memref_slice %arg4[%dma_wait3A_308, %dma_wait3A_306, %add3A, %dma_wait3A_307, %dma_wait3A_309] : memref<200x2x32x8x128xf32, #tpu.memory_space<hbm>> -> memref<200x1x1x1x128xf32, #tpu.memory_space<hbm>>
    %dma_wait3A_311 = tpu.memref_squeeze %dma_wait3A_310 : memref<200x1x1x1x128xf32, #tpu.memory_space<hbm>> -> memref<200x128xf32, #tpu.memory_space<hbm>>
    %dma_wait3A_312 = arith.constant 0 : i32
    %dma_wait3A_313 = arith.constant 0 : i32
    %dma_wait3A_314 = tpu.memref_slice %arg4[%dma_wait3A_312, %dma_wait3A_306, %add3A, %dma_wait3A_307, %dma_wait3A_313] : memref<200x2x32x8x128xf32, #tpu.memory_space<hbm>> -> memref<200x1x1x1x128xf32, #tpu.memory_space<hbm>>
    %dma_wait3A_315 = tpu.memref_squeeze %dma_wait3A_314 : memref<200x1x1x1x128xf32, #tpu.memory_space<hbm>> -> memref<200x128xf32, #tpu.memory_space<hbm>>
    tpu.wait_dma2 semaphore(%arg11 : memref<!tpu.dma_semaphore, #tpu.memory_space<semaphore_mem>>) src(%arg7 : memref<200x128xf32, #tpu.memory_space<vmem>>) dst(%dma_wait3A_315 : memref<200x128xf32, #tpu.memory_space<hbm>>)
    %scan3A_316 = arith.constant 0 : i32
    %scan3A_317 = arith.constant 0 : i32
    %scan3A_318 = arith.constant 200 : i32
    %scan3A_319 = arith.addi %scan3A_317, %scan3A_318 : i32
    %scan3A_320 = arith.constant 1 : i32
    scf.for %scan3A_703 = %scan3A_317 to %scan3A_319 step %scan3A_320  : i32 {
      %dma_start3A_704 = arith.constant 0 : i32
      %dma_start3A_705 = tpu.memref_slice %arg7[%scan3A_703, %dma_start3A_704] : memref<200x128xf32, #tpu.memory_space<vmem>> -> memref<1x128xf32, #tpu.memory_space<vmem>>
      %dma_start3A_706 = tpu.memref_squeeze %dma_start3A_705 : memref<1x128xf32, #tpu.memory_space<vmem>> -> memref<128xf32, #tpu.memory_space<vmem>>
      %dma_start3A_707 = arith.constant 0 : i32
      %dma_start3A_708 = tpu.memref_slice %arg6[%scan3A_703, %dma_start3A_707] : memref<200x128xi32, #tpu.memory_space<vmem>> -> memref<1x128xi32, #tpu.memory_space<vmem>>
      %dma_start3A_709 = tpu.memref_squeeze %dma_start3A_708 : memref<1x128xi32, #tpu.memory_space<vmem>> -> memref<128xi32, #tpu.memory_space<vmem>>
      %dma_start3A_710 = arith.constant 0 : i32
      %dma_start3A_711 = tpu.memref_slice %arg8[%dma_start3A_710] : memref<1000448xf32, #tpu.memory_space<vmem_shared>> -> memref<1000448xf32, #tpu.memory_space<vmem_shared>>
      tpu.enqueue_indirect_dma source(%dma_start3A_711 : memref<1000448xf32, #tpu.memory_space<vmem_shared>>) target(%dma_start3A_706 : memref<128xf32, #tpu.memory_space<vmem>>) offsets(%dma_start3A_709 : memref<128xi32, #tpu.memory_space<vmem>>) semaphore(%arg10 : memref<!tpu.dma_semaphore, #tpu.memory_space<semaphore_mem>>)
    }
    %scan3A_321 = arith.constant 200 : i32
    %dma_wait3A_322 = arith.constant 0 : i32
    %dma_wait3A_323 = arith.constant 0 : i32
    %dma_wait3A_324 = arith.constant 0 : i32
    %dma_wait3A_325 = arith.constant 0 : i32
    %dma_wait3A_326 = tpu.memref_slice %arg4[%dma_wait3A_324, %dma_wait3A_322, %add3A, %dma_wait3A_323, %dma_wait3A_325] : memref<200x2x32x8x128xf32, #tpu.memory_space<hbm>> -> memref<200x1x1x1x128xf32, #tpu.memory_space<hbm>>
    %dma_wait3A_327 = tpu.memref_squeeze %dma_wait3A_326 : memref<200x1x1x1x128xf32, #tpu.memory_space<hbm>> -> memref<200x128xf32, #tpu.memory_space<hbm>>
    %dma_wait3A_328 = arith.constant 0 : i32
    %dma_wait3A_329 = arith.constant 0 : i32
    %dma_wait3A_330 = tpu.memref_slice %arg4[%dma_wait3A_328, %dma_wait3A_322, %add3A, %dma_wait3A_323, %dma_wait3A_329] : memref<200x2x32x8x128xf32, #tpu.memory_space<hbm>> -> memref<200x1x1x1x128xf32, #tpu.memory_space<hbm>>
    %dma_wait3A_331 = tpu.memref_squeeze %dma_wait3A_330 : memref<200x1x1x1x128xf32, #tpu.memory_space<hbm>> -> memref<200x128xf32, #tpu.memory_space<hbm>>
    tpu.wait_dma2 semaphore(%arg10 : memref<!tpu.dma_semaphore, #tpu.memory_space<semaphore_mem>>) src(%arg7 : memref<200x128xf32, #tpu.memory_space<vmem>>) dst(%dma_wait3A_331 : memref<200x128xf32, #tpu.memory_space<hbm>>)
    %dma_start3A_332 = arith.constant 0 : i32
    %dma_start3A_333 = arith.constant 6 : i32
    %dma_start3A_334 = arith.constant 0 : i32
    %dma_start3A_335 = arith.constant 0 : i32
    %dma_start3A_336 = tpu.memref_slice %arg4[%dma_start3A_334, %dma_start3A_332, %add3A, %dma_start3A_333, %dma_start3A_335] : memref<200x2x32x8x128xf32, #tpu.memory_space<hbm>> -> memref<200x1x1x1x128xf32, #tpu.memory_space<hbm>>
    %dma_start3A_337 = tpu.memref_squeeze %dma_start3A_336 : memref<200x1x1x1x128xf32, #tpu.memory_space<hbm>> -> memref<200x128xf32, #tpu.memory_space<hbm>>
    %dma_start3A_338 = arith.constant 0 : i32
    %dma_start3A_339 = arith.constant 0 : i32
    %dma_start3A_340 = tpu.memref_slice %arg4[%dma_start3A_338, %dma_start3A_332, %add3A, %dma_start3A_333, %dma_start3A_339] : memref<200x2x32x8x128xf32, #tpu.memory_space<hbm>> -> memref<200x1x1x1x128xf32, #tpu.memory_space<hbm>>
    %dma_start3A_341 = tpu.memref_squeeze %dma_start3A_340 : memref<200x1x1x1x128xf32, #tpu.memory_space<hbm>> -> memref<200x128xf32, #tpu.memory_space<hbm>>
    tpu.enqueue_dma source(%arg7 : memref<200x128xf32, #tpu.memory_space<vmem>>) target(%dma_start3A_341 : memref<200x128xf32, #tpu.memory_space<hbm>>) target_semaphore(%arg11 : memref<!tpu.dma_semaphore, #tpu.memory_space<semaphore_mem>>)
    %barrier3A_342 = arith.constant 0 : index
    tpu.barrier barrier_id(%barrier3A_342)
    %mul3A_343 = arith.constant 62528 : i32
    %mul3A_344 = arith.muli %arg1, %mul3A_343 : i32
    %mul3A_345 = arith.constant 62528 : i32
    %mul3A_346 = arith.muli %arg1, %mul3A_345 : i32
    %dma_start3A_347 = arith.constant 7 : i32
    %dma_start3A_348 = tpu.memref_slice %arg8[%mul3A_346] : memref<1000448xf32, #tpu.memory_space<vmem_shared>> -> memref<62528xf32, #tpu.memory_space<vmem_shared>>
    %dma_start3A_349 = tpu.memref_slice %arg2[%dma_start3A_347, %mul3A_344] : memref<16x1000448xf32, #tpu.memory_space<hbm>> -> memref<1x62528xf32, #tpu.memory_space<hbm>>
    %dma_start3A_350 = tpu.memref_squeeze %dma_start3A_349 : memref<1x62528xf32, #tpu.memory_space<hbm>> -> memref<62528xf32, #tpu.memory_space<hbm>>
    tpu.enqueue_dma source(%dma_start3A_350 : memref<62528xf32, #tpu.memory_space<hbm>>) target(%dma_start3A_348 : memref<62528xf32, #tpu.memory_space<vmem_shared>>) target_semaphore(%arg9 : memref<!tpu.dma_semaphore, #tpu.memory_space<semaphore_mem>>)
    %dma_wait3A_351 = arith.constant 7 : i32
    %dma_wait3A_352 = tpu.memref_slice %arg8[%mul3A_346] : memref<1000448xf32, #tpu.memory_space<vmem_shared>> -> memref<62528xf32, #tpu.memory_space<vmem_shared>>
    %dma_wait3A_353 = tpu.memref_slice %arg2[%dma_wait3A_351, %mul3A_344] : memref<16x1000448xf32, #tpu.memory_space<hbm>> -> memref<1x62528xf32, #tpu.memory_space<hbm>>
    %dma_wait3A_354 = tpu.memref_squeeze %dma_wait3A_353 : memref<1x62528xf32, #tpu.memory_space<hbm>> -> memref<62528xf32, #tpu.memory_space<hbm>>
    tpu.wait_dma2 semaphore(%arg9 : memref<!tpu.dma_semaphore, #tpu.memory_space<semaphore_mem>>) src(%dma_wait3A_354 : memref<62528xf32, #tpu.memory_space<hbm>>) dst(%dma_wait3A_352 : memref<62528xf32, #tpu.memory_space<vmem_shared>>)
    %barrier3A_355 = arith.constant 0 : index
    tpu.barrier barrier_id(%barrier3A_355)
    %dma_wait3A_356 = arith.constant 0 : i32
    %dma_wait3A_357 = arith.constant 0 : i32
    %dma_wait3A_358 = arith.constant 0 : i32
    %dma_wait3A_359 = arith.constant 0 : i32
    %dma_wait3A_360 = tpu.memref_slice %arg4[%dma_wait3A_358, %dma_wait3A_356, %add3A, %dma_wait3A_357, %dma_wait3A_359] : memref<200x2x32x8x128xf32, #tpu.memory_space<hbm>> -> memref<200x1x1x1x128xf32, #tpu.memory_space<hbm>>
    %dma_wait3A_361 = tpu.memref_squeeze %dma_wait3A_360 : memref<200x1x1x1x128xf32, #tpu.memory_space<hbm>> -> memref<200x128xf32, #tpu.memory_space<hbm>>
    %dma_wait3A_362 = arith.constant 0 : i32
    %dma_wait3A_363 = arith.constant 0 : i32
    %dma_wait3A_364 = tpu.memref_slice %arg4[%dma_wait3A_362, %dma_wait3A_356, %add3A, %dma_wait3A_357, %dma_wait3A_363] : memref<200x2x32x8x128xf32, #tpu.memory_space<hbm>> -> memref<200x1x1x1x128xf32, #tpu.memory_space<hbm>>
    %dma_wait3A_365 = tpu.memref_squeeze %dma_wait3A_364 : memref<200x1x1x1x128xf32, #tpu.memory_space<hbm>> -> memref<200x128xf32, #tpu.memory_space<hbm>>
    tpu.wait_dma2 semaphore(%arg11 : memref<!tpu.dma_semaphore, #tpu.memory_space<semaphore_mem>>) src(%arg7 : memref<200x128xf32, #tpu.memory_space<vmem>>) dst(%dma_wait3A_365 : memref<200x128xf32, #tpu.memory_space<hbm>>)
    %scan3A_366 = arith.constant 0 : i32
    %scan3A_367 = arith.constant 0 : i32
    %scan3A_368 = arith.constant 200 : i32
    %scan3A_369 = arith.addi %scan3A_367, %scan3A_368 : i32
    %scan3A_370 = arith.constant 1 : i32
    scf.for %scan3A_703 = %scan3A_367 to %scan3A_369 step %scan3A_370  : i32 {
      %dma_start3A_704 = arith.constant 0 : i32
      %dma_start3A_705 = tpu.memref_slice %arg7[%scan3A_703, %dma_start3A_704] : memref<200x128xf32, #tpu.memory_space<vmem>> -> memref<1x128xf32, #tpu.memory_space<vmem>>
      %dma_start3A_706 = tpu.memref_squeeze %dma_start3A_705 : memref<1x128xf32, #tpu.memory_space<vmem>> -> memref<128xf32, #tpu.memory_space<vmem>>
      %dma_start3A_707 = arith.constant 0 : i32
      %dma_start3A_708 = tpu.memref_slice %arg6[%scan3A_703, %dma_start3A_707] : memref<200x128xi32, #tpu.memory_space<vmem>> -> memref<1x128xi32, #tpu.memory_space<vmem>>
      %dma_start3A_709 = tpu.memref_squeeze %dma_start3A_708 : memref<1x128xi32, #tpu.memory_space<vmem>> -> memref<128xi32, #tpu.memory_space<vmem>>
      %dma_start3A_710 = arith.constant 0 : i32
      %dma_start3A_711 = tpu.memref_slice %arg8[%dma_start3A_710] : memref<1000448xf32, #tpu.memory_space<vmem_shared>> -> memref<1000448xf32, #tpu.memory_space<vmem_shared>>
      tpu.enqueue_indirect_dma source(%dma_start3A_711 : memref<1000448xf32, #tpu.memory_space<vmem_shared>>) target(%dma_start3A_706 : memref<128xf32, #tpu.memory_space<vmem>>) offsets(%dma_start3A_709 : memref<128xi32, #tpu.memory_space<vmem>>) semaphore(%arg10 : memref<!tpu.dma_semaphore, #tpu.memory_space<semaphore_mem>>)
    }
    %scan3A_371 = arith.constant 200 : i32
    %dma_wait3A_372 = arith.constant 0 : i32
    %dma_wait3A_373 = arith.constant 0 : i32
    %dma_wait3A_374 = arith.constant 0 : i32
    %dma_wait3A_375 = arith.constant 0 : i32
    %dma_wait3A_376 = tpu.memref_slice %arg4[%dma_wait3A_374, %dma_wait3A_372, %add3A, %dma_wait3A_373, %dma_wait3A_375] : memref<200x2x32x8x128xf32, #tpu.memory_space<hbm>> -> memref<200x1x1x1x128xf32, #tpu.memory_space<hbm>>
    %dma_wait3A_377 = tpu.memref_squeeze %dma_wait3A_376 : memref<200x1x1x1x128xf32, #tpu.memory_space<hbm>> -> memref<200x128xf32, #tpu.memory_space<hbm>>
    %dma_wait3A_378 = arith.constant 0 : i32
    %dma_wait3A_379 = arith.constant 0 : i32
    %dma_wait3A_380 = tpu.memref_slice %arg4[%dma_wait3A_378, %dma_wait3A_372, %add3A, %dma_wait3A_373, %dma_wait3A_379] : memref<200x2x32x8x128xf32, #tpu.memory_space<hbm>> -> memref<200x1x1x1x128xf32, #tpu.memory_space<hbm>>
    %dma_wait3A_381 = tpu.memref_squeeze %dma_wait3A_380 : memref<200x1x1x1x128xf32, #tpu.memory_space<hbm>> -> memref<200x128xf32, #tpu.memory_space<hbm>>
    tpu.wait_dma2 semaphore(%arg10 : memref<!tpu.dma_semaphore, #tpu.memory_space<semaphore_mem>>) src(%arg7 : memref<200x128xf32, #tpu.memory_space<vmem>>) dst(%dma_wait3A_381 : memref<200x128xf32, #tpu.memory_space<hbm>>)
    %dma_start3A_382 = arith.constant 0 : i32
    %dma_start3A_383 = arith.constant 7 : i32
    %dma_start3A_384 = arith.constant 0 : i32
    %dma_start3A_385 = arith.constant 0 : i32
    %dma_start3A_386 = tpu.memref_slice %arg4[%dma_start3A_384, %dma_start3A_382, %add3A, %dma_start3A_383, %dma_start3A_385] : memref<200x2x32x8x128xf32, #tpu.memory_space<hbm>> -> memref<200x1x1x1x128xf32, #tpu.memory_space<hbm>>
    %dma_start3A_387 = tpu.memref_squeeze %dma_start3A_386 : memref<200x1x1x1x128xf32, #tpu.memory_space<hbm>> -> memref<200x128xf32, #tpu.memory_space<hbm>>
    %dma_start3A_388 = arith.constant 0 : i32
    %dma_start3A_389 = arith.constant 0 : i32
    %dma_start3A_390 = tpu.memref_slice %arg4[%dma_start3A_388, %dma_start3A_382, %add3A, %dma_start3A_383, %dma_start3A_389] : memref<200x2x32x8x128xf32, #tpu.memory_space<hbm>> -> memref<200x1x1x1x128xf32, #tpu.memory_space<hbm>>
    %dma_start3A_391 = tpu.memref_squeeze %dma_start3A_390 : memref<200x1x1x1x128xf32, #tpu.memory_space<hbm>> -> memref<200x128xf32, #tpu.memory_space<hbm>>
    tpu.enqueue_dma source(%arg7 : memref<200x128xf32, #tpu.memory_space<vmem>>) target(%dma_start3A_391 : memref<200x128xf32, #tpu.memory_space<hbm>>) target_semaphore(%arg11 : memref<!tpu.dma_semaphore, #tpu.memory_space<semaphore_mem>>)
    %barrier3A_392 = arith.constant 0 : index
    tpu.barrier barrier_id(%barrier3A_392)
    %mul3A_393 = arith.constant 62528 : i32
    %mul3A_394 = arith.muli %arg1, %mul3A_393 : i32
    %mul3A_395 = arith.constant 62528 : i32
    %mul3A_396 = arith.muli %arg1, %mul3A_395 : i32
    %dma_start3A_397 = arith.constant 8 : i32
    %dma_start3A_398 = tpu.memref_slice %arg8[%mul3A_396] : memref<1000448xf32, #tpu.memory_space<vmem_shared>> -> memref<62528xf32, #tpu.memory_space<vmem_shared>>
    %dma_start3A_399 = tpu.memref_slice %arg2[%dma_start3A_397, %mul3A_394] : memref<16x1000448xf32, #tpu.memory_space<hbm>> -> memref<1x62528xf32, #tpu.memory_space<hbm>>
    %dma_start3A_400 = tpu.memref_squeeze %dma_start3A_399 : memref<1x62528xf32, #tpu.memory_space<hbm>> -> memref<62528xf32, #tpu.memory_space<hbm>>
    tpu.enqueue_dma source(%dma_start3A_400 : memref<62528xf32, #tpu.memory_space<hbm>>) target(%dma_start3A_398 : memref<62528xf32, #tpu.memory_space<vmem_shared>>) target_semaphore(%arg9 : memref<!tpu.dma_semaphore, #tpu.memory_space<semaphore_mem>>)
    %dma_wait3A_401 = arith.constant 8 : i32
    %dma_wait3A_402 = tpu.memref_slice %arg8[%mul3A_396] : memref<1000448xf32, #tpu.memory_space<vmem_shared>> -> memref<62528xf32, #tpu.memory_space<vmem_shared>>
    %dma_wait3A_403 = tpu.memref_slice %arg2[%dma_wait3A_401, %mul3A_394] : memref<16x1000448xf32, #tpu.memory_space<hbm>> -> memref<1x62528xf32, #tpu.memory_space<hbm>>
    %dma_wait3A_404 = tpu.memref_squeeze %dma_wait3A_403 : memref<1x62528xf32, #tpu.memory_space<hbm>> -> memref<62528xf32, #tpu.memory_space<hbm>>
    tpu.wait_dma2 semaphore(%arg9 : memref<!tpu.dma_semaphore, #tpu.memory_space<semaphore_mem>>) src(%dma_wait3A_404 : memref<62528xf32, #tpu.memory_space<hbm>>) dst(%dma_wait3A_402 : memref<62528xf32, #tpu.memory_space<vmem_shared>>)
    %barrier3A_405 = arith.constant 0 : index
    tpu.barrier barrier_id(%barrier3A_405)
    %dma_wait3A_406 = arith.constant 0 : i32
    %dma_wait3A_407 = arith.constant 0 : i32
    %dma_wait3A_408 = arith.constant 0 : i32
    %dma_wait3A_409 = arith.constant 0 : i32
    %dma_wait3A_410 = tpu.memref_slice %arg4[%dma_wait3A_408, %dma_wait3A_406, %add3A, %dma_wait3A_407, %dma_wait3A_409] : memref<200x2x32x8x128xf32, #tpu.memory_space<hbm>> -> memref<200x1x1x1x128xf32, #tpu.memory_space<hbm>>
    %dma_wait3A_411 = tpu.memref_squeeze %dma_wait3A_410 : memref<200x1x1x1x128xf32, #tpu.memory_space<hbm>> -> memref<200x128xf32, #tpu.memory_space<hbm>>
    %dma_wait3A_412 = arith.constant 0 : i32
    %dma_wait3A_413 = arith.constant 0 : i32
    %dma_wait3A_414 = tpu.memref_slice %arg4[%dma_wait3A_412, %dma_wait3A_406, %add3A, %dma_wait3A_407, %dma_wait3A_413] : memref<200x2x32x8x128xf32, #tpu.memory_space<hbm>> -> memref<200x1x1x1x128xf32, #tpu.memory_space<hbm>>
    %dma_wait3A_415 = tpu.memref_squeeze %dma_wait3A_414 : memref<200x1x1x1x128xf32, #tpu.memory_space<hbm>> -> memref<200x128xf32, #tpu.memory_space<hbm>>
    tpu.wait_dma2 semaphore(%arg11 : memref<!tpu.dma_semaphore, #tpu.memory_space<semaphore_mem>>) src(%arg7 : memref<200x128xf32, #tpu.memory_space<vmem>>) dst(%dma_wait3A_415 : memref<200x128xf32, #tpu.memory_space<hbm>>)
    %scan3A_416 = arith.constant 0 : i32
    %scan3A_417 = arith.constant 0 : i32
    %scan3A_418 = arith.constant 200 : i32
    %scan3A_419 = arith.addi %scan3A_417, %scan3A_418 : i32
    %scan3A_420 = arith.constant 1 : i32
    scf.for %scan3A_703 = %scan3A_417 to %scan3A_419 step %scan3A_420  : i32 {
      %dma_start3A_704 = arith.constant 0 : i32
      %dma_start3A_705 = tpu.memref_slice %arg7[%scan3A_703, %dma_start3A_704] : memref<200x128xf32, #tpu.memory_space<vmem>> -> memref<1x128xf32, #tpu.memory_space<vmem>>
      %dma_start3A_706 = tpu.memref_squeeze %dma_start3A_705 : memref<1x128xf32, #tpu.memory_space<vmem>> -> memref<128xf32, #tpu.memory_space<vmem>>
      %dma_start3A_707 = arith.constant 0 : i32
      %dma_start3A_708 = tpu.memref_slice %arg6[%scan3A_703, %dma_start3A_707] : memref<200x128xi32, #tpu.memory_space<vmem>> -> memref<1x128xi32, #tpu.memory_space<vmem>>
      %dma_start3A_709 = tpu.memref_squeeze %dma_start3A_708 : memref<1x128xi32, #tpu.memory_space<vmem>> -> memref<128xi32, #tpu.memory_space<vmem>>
      %dma_start3A_710 = arith.constant 0 : i32
      %dma_start3A_711 = tpu.memref_slice %arg8[%dma_start3A_710] : memref<1000448xf32, #tpu.memory_space<vmem_shared>> -> memref<1000448xf32, #tpu.memory_space<vmem_shared>>
      tpu.enqueue_indirect_dma source(%dma_start3A_711 : memref<1000448xf32, #tpu.memory_space<vmem_shared>>) target(%dma_start3A_706 : memref<128xf32, #tpu.memory_space<vmem>>) offsets(%dma_start3A_709 : memref<128xi32, #tpu.memory_space<vmem>>) semaphore(%arg10 : memref<!tpu.dma_semaphore, #tpu.memory_space<semaphore_mem>>)
    }
    %scan3A_421 = arith.constant 200 : i32
    %dma_wait3A_422 = arith.constant 0 : i32
    %dma_wait3A_423 = arith.constant 0 : i32
    %dma_wait3A_424 = arith.constant 0 : i32
    %dma_wait3A_425 = arith.constant 0 : i32
    %dma_wait3A_426 = tpu.memref_slice %arg4[%dma_wait3A_424, %dma_wait3A_422, %add3A, %dma_wait3A_423, %dma_wait3A_425] : memref<200x2x32x8x128xf32, #tpu.memory_space<hbm>> -> memref<200x1x1x1x128xf32, #tpu.memory_space<hbm>>
    %dma_wait3A_427 = tpu.memref_squeeze %dma_wait3A_426 : memref<200x1x1x1x128xf32, #tpu.memory_space<hbm>> -> memref<200x128xf32, #tpu.memory_space<hbm>>
    %dma_wait3A_428 = arith.constant 0 : i32
    %dma_wait3A_429 = arith.constant 0 : i32
    %dma_wait3A_430 = tpu.memref_slice %arg4[%dma_wait3A_428, %dma_wait3A_422, %add3A, %dma_wait3A_423, %dma_wait3A_429] : memref<200x2x32x8x128xf32, #tpu.memory_space<hbm>> -> memref<200x1x1x1x128xf32, #tpu.memory_space<hbm>>
    %dma_wait3A_431 = tpu.memref_squeeze %dma_wait3A_430 : memref<200x1x1x1x128xf32, #tpu.memory_space<hbm>> -> memref<200x128xf32, #tpu.memory_space<hbm>>
    tpu.wait_dma2 semaphore(%arg10 : memref<!tpu.dma_semaphore, #tpu.memory_space<semaphore_mem>>) src(%arg7 : memref<200x128xf32, #tpu.memory_space<vmem>>) dst(%dma_wait3A_431 : memref<200x128xf32, #tpu.memory_space<hbm>>)
    %dma_start3A_432 = arith.constant 1 : i32
    %dma_start3A_433 = arith.constant 0 : i32
    %dma_start3A_434 = arith.constant 0 : i32
    %dma_start3A_435 = arith.constant 0 : i32
    %dma_start3A_436 = tpu.memref_slice %arg4[%dma_start3A_434, %dma_start3A_432, %add3A, %dma_start3A_433, %dma_start3A_435] : memref<200x2x32x8x128xf32, #tpu.memory_space<hbm>> -> memref<200x1x1x1x128xf32, #tpu.memory_space<hbm>>
    %dma_start3A_437 = tpu.memref_squeeze %dma_start3A_436 : memref<200x1x1x1x128xf32, #tpu.memory_space<hbm>> -> memref<200x128xf32, #tpu.memory_space<hbm>>
    %dma_start3A_438 = arith.constant 0 : i32
    %dma_start3A_439 = arith.constant 0 : i32
    %dma_start3A_440 = tpu.memref_slice %arg4[%dma_start3A_438, %dma_start3A_432, %add3A, %dma_start3A_433, %dma_start3A_439] : memref<200x2x32x8x128xf32, #tpu.memory_space<hbm>> -> memref<200x1x1x1x128xf32, #tpu.memory_space<hbm>>
    %dma_start3A_441 = tpu.memref_squeeze %dma_start3A_440 : memref<200x1x1x1x128xf32, #tpu.memory_space<hbm>> -> memref<200x128xf32, #tpu.memory_space<hbm>>
    tpu.enqueue_dma source(%arg7 : memref<200x128xf32, #tpu.memory_space<vmem>>) target(%dma_start3A_441 : memref<200x128xf32, #tpu.memory_space<hbm>>) target_semaphore(%arg11 : memref<!tpu.dma_semaphore, #tpu.memory_space<semaphore_mem>>)
    %barrier3A_442 = arith.constant 0 : index
    tpu.barrier barrier_id(%barrier3A_442)
    %mul3A_443 = arith.constant 62528 : i32
    %mul3A_444 = arith.muli %arg1, %mul3A_443 : i32
    %mul3A_445 = arith.constant 62528 : i32
    %mul3A_446 = arith.muli %arg1, %mul3A_445 : i32
    %dma_start3A_447 = arith.constant 9 : i32
    %dma_start3A_448 = tpu.memref_slice %arg8[%mul3A_446] : memref<1000448xf32, #tpu.memory_space<vmem_shared>> -> memref<62528xf32, #tpu.memory_space<vmem_shared>>
    %dma_start3A_449 = tpu.memref_slice %arg2[%dma_start3A_447, %mul3A_444] : memref<16x1000448xf32, #tpu.memory_space<hbm>> -> memref<1x62528xf32, #tpu.memory_space<hbm>>
    %dma_start3A_450 = tpu.memref_squeeze %dma_start3A_449 : memref<1x62528xf32, #tpu.memory_space<hbm>> -> memref<62528xf32, #tpu.memory_space<hbm>>
    tpu.enqueue_dma source(%dma_start3A_450 : memref<62528xf32, #tpu.memory_space<hbm>>) target(%dma_start3A_448 : memref<62528xf32, #tpu.memory_space<vmem_shared>>) target_semaphore(%arg9 : memref<!tpu.dma_semaphore, #tpu.memory_space<semaphore_mem>>)
    %dma_wait3A_451 = arith.constant 9 : i32
    %dma_wait3A_452 = tpu.memref_slice %arg8[%mul3A_446] : memref<1000448xf32, #tpu.memory_space<vmem_shared>> -> memref<62528xf32, #tpu.memory_space<vmem_shared>>
    %dma_wait3A_453 = tpu.memref_slice %arg2[%dma_wait3A_451, %mul3A_444] : memref<16x1000448xf32, #tpu.memory_space<hbm>> -> memref<1x62528xf32, #tpu.memory_space<hbm>>
    %dma_wait3A_454 = tpu.memref_squeeze %dma_wait3A_453 : memref<1x62528xf32, #tpu.memory_space<hbm>> -> memref<62528xf32, #tpu.memory_space<hbm>>
    tpu.wait_dma2 semaphore(%arg9 : memref<!tpu.dma_semaphore, #tpu.memory_space<semaphore_mem>>) src(%dma_wait3A_454 : memref<62528xf32, #tpu.memory_space<hbm>>) dst(%dma_wait3A_452 : memref<62528xf32, #tpu.memory_space<vmem_shared>>)
    %barrier3A_455 = arith.constant 0 : index
    tpu.barrier barrier_id(%barrier3A_455)
    %dma_wait3A_456 = arith.constant 0 : i32
    %dma_wait3A_457 = arith.constant 0 : i32
    %dma_wait3A_458 = arith.constant 0 : i32
    %dma_wait3A_459 = arith.constant 0 : i32
    %dma_wait3A_460 = tpu.memref_slice %arg4[%dma_wait3A_458, %dma_wait3A_456, %add3A, %dma_wait3A_457, %dma_wait3A_459] : memref<200x2x32x8x128xf32, #tpu.memory_space<hbm>> -> memref<200x1x1x1x128xf32, #tpu.memory_space<hbm>>
    %dma_wait3A_461 = tpu.memref_squeeze %dma_wait3A_460 : memref<200x1x1x1x128xf32, #tpu.memory_space<hbm>> -> memref<200x128xf32, #tpu.memory_space<hbm>>
    %dma_wait3A_462 = arith.constant 0 : i32
    %dma_wait3A_463 = arith.constant 0 : i32
    %dma_wait3A_464 = tpu.memref_slice %arg4[%dma_wait3A_462, %dma_wait3A_456, %add3A, %dma_wait3A_457, %dma_wait3A_463] : memref<200x2x32x8x128xf32, #tpu.memory_space<hbm>> -> memref<200x1x1x1x128xf32, #tpu.memory_space<hbm>>
    %dma_wait3A_465 = tpu.memref_squeeze %dma_wait3A_464 : memref<200x1x1x1x128xf32, #tpu.memory_space<hbm>> -> memref<200x128xf32, #tpu.memory_space<hbm>>
    tpu.wait_dma2 semaphore(%arg11 : memref<!tpu.dma_semaphore, #tpu.memory_space<semaphore_mem>>) src(%arg7 : memref<200x128xf32, #tpu.memory_space<vmem>>) dst(%dma_wait3A_465 : memref<200x128xf32, #tpu.memory_space<hbm>>)
    %scan3A_466 = arith.constant 0 : i32
    %scan3A_467 = arith.constant 0 : i32
    %scan3A_468 = arith.constant 200 : i32
    %scan3A_469 = arith.addi %scan3A_467, %scan3A_468 : i32
    %scan3A_470 = arith.constant 1 : i32
    scf.for %scan3A_703 = %scan3A_467 to %scan3A_469 step %scan3A_470  : i32 {
      %dma_start3A_704 = arith.constant 0 : i32
      %dma_start3A_705 = tpu.memref_slice %arg7[%scan3A_703, %dma_start3A_704] : memref<200x128xf32, #tpu.memory_space<vmem>> -> memref<1x128xf32, #tpu.memory_space<vmem>>
      %dma_start3A_706 = tpu.memref_squeeze %dma_start3A_705 : memref<1x128xf32, #tpu.memory_space<vmem>> -> memref<128xf32, #tpu.memory_space<vmem>>
      %dma_start3A_707 = arith.constant 0 : i32
      %dma_start3A_708 = tpu.memref_slice %arg6[%scan3A_703, %dma_start3A_707] : memref<200x128xi32, #tpu.memory_space<vmem>> -> memref<1x128xi32, #tpu.memory_space<vmem>>
      %dma_start3A_709 = tpu.memref_squeeze %dma_start3A_708 : memref<1x128xi32, #tpu.memory_space<vmem>> -> memref<128xi32, #tpu.memory_space<vmem>>
      %dma_start3A_710 = arith.constant 0 : i32
      %dma_start3A_711 = tpu.memref_slice %arg8[%dma_start3A_710] : memref<1000448xf32, #tpu.memory_space<vmem_shared>> -> memref<1000448xf32, #tpu.memory_space<vmem_shared>>
      tpu.enqueue_indirect_dma source(%dma_start3A_711 : memref<1000448xf32, #tpu.memory_space<vmem_shared>>) target(%dma_start3A_706 : memref<128xf32, #tpu.memory_space<vmem>>) offsets(%dma_start3A_709 : memref<128xi32, #tpu.memory_space<vmem>>) semaphore(%arg10 : memref<!tpu.dma_semaphore, #tpu.memory_space<semaphore_mem>>)
    }
    %scan3A_471 = arith.constant 200 : i32
    %dma_wait3A_472 = arith.constant 0 : i32
    %dma_wait3A_473 = arith.constant 0 : i32
    %dma_wait3A_474 = arith.constant 0 : i32
    %dma_wait3A_475 = arith.constant 0 : i32
    %dma_wait3A_476 = tpu.memref_slice %arg4[%dma_wait3A_474, %dma_wait3A_472, %add3A, %dma_wait3A_473, %dma_wait3A_475] : memref<200x2x32x8x128xf32, #tpu.memory_space<hbm>> -> memref<200x1x1x1x128xf32, #tpu.memory_space<hbm>>
    %dma_wait3A_477 = tpu.memref_squeeze %dma_wait3A_476 : memref<200x1x1x1x128xf32, #tpu.memory_space<hbm>> -> memref<200x128xf32, #tpu.memory_space<hbm>>
    %dma_wait3A_478 = arith.constant 0 : i32
    %dma_wait3A_479 = arith.constant 0 : i32
    %dma_wait3A_480 = tpu.memref_slice %arg4[%dma_wait3A_478, %dma_wait3A_472, %add3A, %dma_wait3A_473, %dma_wait3A_479] : memref<200x2x32x8x128xf32, #tpu.memory_space<hbm>> -> memref<200x1x1x1x128xf32, #tpu.memory_space<hbm>>
    %dma_wait3A_481 = tpu.memref_squeeze %dma_wait3A_480 : memref<200x1x1x1x128xf32, #tpu.memory_space<hbm>> -> memref<200x128xf32, #tpu.memory_space<hbm>>
    tpu.wait_dma2 semaphore(%arg10 : memref<!tpu.dma_semaphore, #tpu.memory_space<semaphore_mem>>) src(%arg7 : memref<200x128xf32, #tpu.memory_space<vmem>>) dst(%dma_wait3A_481 : memref<200x128xf32, #tpu.memory_space<hbm>>)
    %dma_start3A_482 = arith.constant 1 : i32
    %dma_start3A_483 = arith.constant 1 : i32
    %dma_start3A_484 = arith.constant 0 : i32
    %dma_start3A_485 = arith.constant 0 : i32
    %dma_start3A_486 = tpu.memref_slice %arg4[%dma_start3A_484, %dma_start3A_482, %add3A, %dma_start3A_483, %dma_start3A_485] : memref<200x2x32x8x128xf32, #tpu.memory_space<hbm>> -> memref<200x1x1x1x128xf32, #tpu.memory_space<hbm>>
    %dma_start3A_487 = tpu.memref_squeeze %dma_start3A_486 : memref<200x1x1x1x128xf32, #tpu.memory_space<hbm>> -> memref<200x128xf32, #tpu.memory_space<hbm>>
    %dma_start3A_488 = arith.constant 0 : i32
    %dma_start3A_489 = arith.constant 0 : i32
    %dma_start3A_490 = tpu.memref_slice %arg4[%dma_start3A_488, %dma_start3A_482, %add3A, %dma_start3A_483, %dma_start3A_489] : memref<200x2x32x8x128xf32, #tpu.memory_space<hbm>> -> memref<200x1x1x1x128xf32, #tpu.memory_space<hbm>>
    %dma_start3A_491 = tpu.memref_squeeze %dma_start3A_490 : memref<200x1x1x1x128xf32, #tpu.memory_space<hbm>> -> memref<200x128xf32, #tpu.memory_space<hbm>>
    tpu.enqueue_dma source(%arg7 : memref<200x128xf32, #tpu.memory_space<vmem>>) target(%dma_start3A_491 : memref<200x128xf32, #tpu.memory_space<hbm>>) target_semaphore(%arg11 : memref<!tpu.dma_semaphore, #tpu.memory_space<semaphore_mem>>)
    %barrier3A_492 = arith.constant 0 : index
    tpu.barrier barrier_id(%barrier3A_492)
    %mul3A_493 = arith.constant 62528 : i32
    %mul3A_494 = arith.muli %arg1, %mul3A_493 : i32
    %mul3A_495 = arith.constant 62528 : i32
    %mul3A_496 = arith.muli %arg1, %mul3A_495 : i32
    %dma_start3A_497 = arith.constant 10 : i32
    %dma_start3A_498 = tpu.memref_slice %arg8[%mul3A_496] : memref<1000448xf32, #tpu.memory_space<vmem_shared>> -> memref<62528xf32, #tpu.memory_space<vmem_shared>>
    %dma_start3A_499 = tpu.memref_slice %arg2[%dma_start3A_497, %mul3A_494] : memref<16x1000448xf32, #tpu.memory_space<hbm>> -> memref<1x62528xf32, #tpu.memory_space<hbm>>
    %dma_start3A_500 = tpu.memref_squeeze %dma_start3A_499 : memref<1x62528xf32, #tpu.memory_space<hbm>> -> memref<62528xf32, #tpu.memory_space<hbm>>
    tpu.enqueue_dma source(%dma_start3A_500 : memref<62528xf32, #tpu.memory_space<hbm>>) target(%dma_start3A_498 : memref<62528xf32, #tpu.memory_space<vmem_shared>>) target_semaphore(%arg9 : memref<!tpu.dma_semaphore, #tpu.memory_space<semaphore_mem>>)
    %dma_wait3A_501 = arith.constant 10 : i32
    %dma_wait3A_502 = tpu.memref_slice %arg8[%mul3A_496] : memref<1000448xf32, #tpu.memory_space<vmem_shared>> -> memref<62528xf32, #tpu.memory_space<vmem_shared>>
    %dma_wait3A_503 = tpu.memref_slice %arg2[%dma_wait3A_501, %mul3A_494] : memref<16x1000448xf32, #tpu.memory_space<hbm>> -> memref<1x62528xf32, #tpu.memory_space<hbm>>
    %dma_wait3A_504 = tpu.memref_squeeze %dma_wait3A_503 : memref<1x62528xf32, #tpu.memory_space<hbm>> -> memref<62528xf32, #tpu.memory_space<hbm>>
    tpu.wait_dma2 semaphore(%arg9 : memref<!tpu.dma_semaphore, #tpu.memory_space<semaphore_mem>>) src(%dma_wait3A_504 : memref<62528xf32, #tpu.memory_space<hbm>>) dst(%dma_wait3A_502 : memref<62528xf32, #tpu.memory_space<vmem_shared>>)
    %barrier3A_505 = arith.constant 0 : index
    tpu.barrier barrier_id(%barrier3A_505)
    %dma_wait3A_506 = arith.constant 0 : i32
    %dma_wait3A_507 = arith.constant 0 : i32
    %dma_wait3A_508 = arith.constant 0 : i32
    %dma_wait3A_509 = arith.constant 0 : i32
    %dma_wait3A_510 = tpu.memref_slice %arg4[%dma_wait3A_508, %dma_wait3A_506, %add3A, %dma_wait3A_507, %dma_wait3A_509] : memref<200x2x32x8x128xf32, #tpu.memory_space<hbm>> -> memref<200x1x1x1x128xf32, #tpu.memory_space<hbm>>
    %dma_wait3A_511 = tpu.memref_squeeze %dma_wait3A_510 : memref<200x1x1x1x128xf32, #tpu.memory_space<hbm>> -> memref<200x128xf32, #tpu.memory_space<hbm>>
    %dma_wait3A_512 = arith.constant 0 : i32
    %dma_wait3A_513 = arith.constant 0 : i32
    %dma_wait3A_514 = tpu.memref_slice %arg4[%dma_wait3A_512, %dma_wait3A_506, %add3A, %dma_wait3A_507, %dma_wait3A_513] : memref<200x2x32x8x128xf32, #tpu.memory_space<hbm>> -> memref<200x1x1x1x128xf32, #tpu.memory_space<hbm>>
    %dma_wait3A_515 = tpu.memref_squeeze %dma_wait3A_514 : memref<200x1x1x1x128xf32, #tpu.memory_space<hbm>> -> memref<200x128xf32, #tpu.memory_space<hbm>>
    tpu.wait_dma2 semaphore(%arg11 : memref<!tpu.dma_semaphore, #tpu.memory_space<semaphore_mem>>) src(%arg7 : memref<200x128xf32, #tpu.memory_space<vmem>>) dst(%dma_wait3A_515 : memref<200x128xf32, #tpu.memory_space<hbm>>)
    %scan3A_516 = arith.constant 0 : i32
    %scan3A_517 = arith.constant 0 : i32
    %scan3A_518 = arith.constant 200 : i32
    %scan3A_519 = arith.addi %scan3A_517, %scan3A_518 : i32
    %scan3A_520 = arith.constant 1 : i32
    scf.for %scan3A_703 = %scan3A_517 to %scan3A_519 step %scan3A_520  : i32 {
      %dma_start3A_704 = arith.constant 0 : i32
      %dma_start3A_705 = tpu.memref_slice %arg7[%scan3A_703, %dma_start3A_704] : memref<200x128xf32, #tpu.memory_space<vmem>> -> memref<1x128xf32, #tpu.memory_space<vmem>>
      %dma_start3A_706 = tpu.memref_squeeze %dma_start3A_705 : memref<1x128xf32, #tpu.memory_space<vmem>> -> memref<128xf32, #tpu.memory_space<vmem>>
      %dma_start3A_707 = arith.constant 0 : i32
      %dma_start3A_708 = tpu.memref_slice %arg6[%scan3A_703, %dma_start3A_707] : memref<200x128xi32, #tpu.memory_space<vmem>> -> memref<1x128xi32, #tpu.memory_space<vmem>>
      %dma_start3A_709 = tpu.memref_squeeze %dma_start3A_708 : memref<1x128xi32, #tpu.memory_space<vmem>> -> memref<128xi32, #tpu.memory_space<vmem>>
      %dma_start3A_710 = arith.constant 0 : i32
      %dma_start3A_711 = tpu.memref_slice %arg8[%dma_start3A_710] : memref<1000448xf32, #tpu.memory_space<vmem_shared>> -> memref<1000448xf32, #tpu.memory_space<vmem_shared>>
      tpu.enqueue_indirect_dma source(%dma_start3A_711 : memref<1000448xf32, #tpu.memory_space<vmem_shared>>) target(%dma_start3A_706 : memref<128xf32, #tpu.memory_space<vmem>>) offsets(%dma_start3A_709 : memref<128xi32, #tpu.memory_space<vmem>>) semaphore(%arg10 : memref<!tpu.dma_semaphore, #tpu.memory_space<semaphore_mem>>)
    }
    %scan3A_521 = arith.constant 200 : i32
    %dma_wait3A_522 = arith.constant 0 : i32
    %dma_wait3A_523 = arith.constant 0 : i32
    %dma_wait3A_524 = arith.constant 0 : i32
    %dma_wait3A_525 = arith.constant 0 : i32
    %dma_wait3A_526 = tpu.memref_slice %arg4[%dma_wait3A_524, %dma_wait3A_522, %add3A, %dma_wait3A_523, %dma_wait3A_525] : memref<200x2x32x8x128xf32, #tpu.memory_space<hbm>> -> memref<200x1x1x1x128xf32, #tpu.memory_space<hbm>>
    %dma_wait3A_527 = tpu.memref_squeeze %dma_wait3A_526 : memref<200x1x1x1x128xf32, #tpu.memory_space<hbm>> -> memref<200x128xf32, #tpu.memory_space<hbm>>
    %dma_wait3A_528 = arith.constant 0 : i32
    %dma_wait3A_529 = arith.constant 0 : i32
    %dma_wait3A_530 = tpu.memref_slice %arg4[%dma_wait3A_528, %dma_wait3A_522, %add3A, %dma_wait3A_523, %dma_wait3A_529] : memref<200x2x32x8x128xf32, #tpu.memory_space<hbm>> -> memref<200x1x1x1x128xf32, #tpu.memory_space<hbm>>
    %dma_wait3A_531 = tpu.memref_squeeze %dma_wait3A_530 : memref<200x1x1x1x128xf32, #tpu.memory_space<hbm>> -> memref<200x128xf32, #tpu.memory_space<hbm>>
    tpu.wait_dma2 semaphore(%arg10 : memref<!tpu.dma_semaphore, #tpu.memory_space<semaphore_mem>>) src(%arg7 : memref<200x128xf32, #tpu.memory_space<vmem>>) dst(%dma_wait3A_531 : memref<200x128xf32, #tpu.memory_space<hbm>>)
    %dma_start3A_532 = arith.constant 1 : i32
    %dma_start3A_533 = arith.constant 2 : i32
    %dma_start3A_534 = arith.constant 0 : i32
    %dma_start3A_535 = arith.constant 0 : i32
    %dma_start3A_536 = tpu.memref_slice %arg4[%dma_start3A_534, %dma_start3A_532, %add3A, %dma_start3A_533, %dma_start3A_535] : memref<200x2x32x8x128xf32, #tpu.memory_space<hbm>> -> memref<200x1x1x1x128xf32, #tpu.memory_space<hbm>>
    %dma_start3A_537 = tpu.memref_squeeze %dma_start3A_536 : memref<200x1x1x1x128xf32, #tpu.memory_space<hbm>> -> memref<200x128xf32, #tpu.memory_space<hbm>>
    %dma_start3A_538 = arith.constant 0 : i32
    %dma_start3A_539 = arith.constant 0 : i32
    %dma_start3A_540 = tpu.memref_slice %arg4[%dma_start3A_538, %dma_start3A_532, %add3A, %dma_start3A_533, %dma_start3A_539] : memref<200x2x32x8x128xf32, #tpu.memory_space<hbm>> -> memref<200x1x1x1x128xf32, #tpu.memory_space<hbm>>
    %dma_start3A_541 = tpu.memref_squeeze %dma_start3A_540 : memref<200x1x1x1x128xf32, #tpu.memory_space<hbm>> -> memref<200x128xf32, #tpu.memory_space<hbm>>
    tpu.enqueue_dma source(%arg7 : memref<200x128xf32, #tpu.memory_space<vmem>>) target(%dma_start3A_541 : memref<200x128xf32, #tpu.memory_space<hbm>>) target_semaphore(%arg11 : memref<!tpu.dma_semaphore, #tpu.memory_space<semaphore_mem>>)
    %barrier3A_542 = arith.constant 0 : index
    tpu.barrier barrier_id(%barrier3A_542)
    %mul3A_543 = arith.constant 62528 : i32
    %mul3A_544 = arith.muli %arg1, %mul3A_543 : i32
    %mul3A_545 = arith.constant 62528 : i32
    %mul3A_546 = arith.muli %arg1, %mul3A_545 : i32
    %dma_start3A_547 = arith.constant 11 : i32
    %dma_start3A_548 = tpu.memref_slice %arg8[%mul3A_546] : memref<1000448xf32, #tpu.memory_space<vmem_shared>> -> memref<62528xf32, #tpu.memory_space<vmem_shared>>
    %dma_start3A_549 = tpu.memref_slice %arg2[%dma_start3A_547, %mul3A_544] : memref<16x1000448xf32, #tpu.memory_space<hbm>> -> memref<1x62528xf32, #tpu.memory_space<hbm>>
    %dma_start3A_550 = tpu.memref_squeeze %dma_start3A_549 : memref<1x62528xf32, #tpu.memory_space<hbm>> -> memref<62528xf32, #tpu.memory_space<hbm>>
    tpu.enqueue_dma source(%dma_start3A_550 : memref<62528xf32, #tpu.memory_space<hbm>>) target(%dma_start3A_548 : memref<62528xf32, #tpu.memory_space<vmem_shared>>) target_semaphore(%arg9 : memref<!tpu.dma_semaphore, #tpu.memory_space<semaphore_mem>>)
    %dma_wait3A_551 = arith.constant 11 : i32
    %dma_wait3A_552 = tpu.memref_slice %arg8[%mul3A_546] : memref<1000448xf32, #tpu.memory_space<vmem_shared>> -> memref<62528xf32, #tpu.memory_space<vmem_shared>>
    %dma_wait3A_553 = tpu.memref_slice %arg2[%dma_wait3A_551, %mul3A_544] : memref<16x1000448xf32, #tpu.memory_space<hbm>> -> memref<1x62528xf32, #tpu.memory_space<hbm>>
    %dma_wait3A_554 = tpu.memref_squeeze %dma_wait3A_553 : memref<1x62528xf32, #tpu.memory_space<hbm>> -> memref<62528xf32, #tpu.memory_space<hbm>>
    tpu.wait_dma2 semaphore(%arg9 : memref<!tpu.dma_semaphore, #tpu.memory_space<semaphore_mem>>) src(%dma_wait3A_554 : memref<62528xf32, #tpu.memory_space<hbm>>) dst(%dma_wait3A_552 : memref<62528xf32, #tpu.memory_space<vmem_shared>>)
    %barrier3A_555 = arith.constant 0 : index
    tpu.barrier barrier_id(%barrier3A_555)
    %dma_wait3A_556 = arith.constant 0 : i32
    %dma_wait3A_557 = arith.constant 0 : i32
    %dma_wait3A_558 = arith.constant 0 : i32
    %dma_wait3A_559 = arith.constant 0 : i32
    %dma_wait3A_560 = tpu.memref_slice %arg4[%dma_wait3A_558, %dma_wait3A_556, %add3A, %dma_wait3A_557, %dma_wait3A_559] : memref<200x2x32x8x128xf32, #tpu.memory_space<hbm>> -> memref<200x1x1x1x128xf32, #tpu.memory_space<hbm>>
    %dma_wait3A_561 = tpu.memref_squeeze %dma_wait3A_560 : memref<200x1x1x1x128xf32, #tpu.memory_space<hbm>> -> memref<200x128xf32, #tpu.memory_space<hbm>>
    %dma_wait3A_562 = arith.constant 0 : i32
    %dma_wait3A_563 = arith.constant 0 : i32
    %dma_wait3A_564 = tpu.memref_slice %arg4[%dma_wait3A_562, %dma_wait3A_556, %add3A, %dma_wait3A_557, %dma_wait3A_563] : memref<200x2x32x8x128xf32, #tpu.memory_space<hbm>> -> memref<200x1x1x1x128xf32, #tpu.memory_space<hbm>>
    %dma_wait3A_565 = tpu.memref_squeeze %dma_wait3A_564 : memref<200x1x1x1x128xf32, #tpu.memory_space<hbm>> -> memref<200x128xf32, #tpu.memory_space<hbm>>
    tpu.wait_dma2 semaphore(%arg11 : memref<!tpu.dma_semaphore, #tpu.memory_space<semaphore_mem>>) src(%arg7 : memref<200x128xf32, #tpu.memory_space<vmem>>) dst(%dma_wait3A_565 : memref<200x128xf32, #tpu.memory_space<hbm>>)
    %scan3A_566 = arith.constant 0 : i32
    %scan3A_567 = arith.constant 0 : i32
    %scan3A_568 = arith.constant 200 : i32
    %scan3A_569 = arith.addi %scan3A_567, %scan3A_568 : i32
    %scan3A_570 = arith.constant 1 : i32
    scf.for %scan3A_703 = %scan3A_567 to %scan3A_569 step %scan3A_570  : i32 {
      %dma_start3A_704 = arith.constant 0 : i32
      %dma_start3A_705 = tpu.memref_slice %arg7[%scan3A_703, %dma_start3A_704] : memref<200x128xf32, #tpu.memory_space<vmem>> -> memref<1x128xf32, #tpu.memory_space<vmem>>
      %dma_start3A_706 = tpu.memref_squeeze %dma_start3A_705 : memref<1x128xf32, #tpu.memory_space<vmem>> -> memref<128xf32, #tpu.memory_space<vmem>>
      %dma_start3A_707 = arith.constant 0 : i32
      %dma_start3A_708 = tpu.memref_slice %arg6[%scan3A_703, %dma_start3A_707] : memref<200x128xi32, #tpu.memory_space<vmem>> -> memref<1x128xi32, #tpu.memory_space<vmem>>
      %dma_start3A_709 = tpu.memref_squeeze %dma_start3A_708 : memref<1x128xi32, #tpu.memory_space<vmem>> -> memref<128xi32, #tpu.memory_space<vmem>>
      %dma_start3A_710 = arith.constant 0 : i32
      %dma_start3A_711 = tpu.memref_slice %arg8[%dma_start3A_710] : memref<1000448xf32, #tpu.memory_space<vmem_shared>> -> memref<1000448xf32, #tpu.memory_space<vmem_shared>>
      tpu.enqueue_indirect_dma source(%dma_start3A_711 : memref<1000448xf32, #tpu.memory_space<vmem_shared>>) target(%dma_start3A_706 : memref<128xf32, #tpu.memory_space<vmem>>) offsets(%dma_start3A_709 : memref<128xi32, #tpu.memory_space<vmem>>) semaphore(%arg10 : memref<!tpu.dma_semaphore, #tpu.memory_space<semaphore_mem>>)
    }
    %scan3A_571 = arith.constant 200 : i32
    %dma_wait3A_572 = arith.constant 0 : i32
    %dma_wait3A_573 = arith.constant 0 : i32
    %dma_wait3A_574 = arith.constant 0 : i32
    %dma_wait3A_575 = arith.constant 0 : i32
    %dma_wait3A_576 = tpu.memref_slice %arg4[%dma_wait3A_574, %dma_wait3A_572, %add3A, %dma_wait3A_573, %dma_wait3A_575] : memref<200x2x32x8x128xf32, #tpu.memory_space<hbm>> -> memref<200x1x1x1x128xf32, #tpu.memory_space<hbm>>
    %dma_wait3A_577 = tpu.memref_squeeze %dma_wait3A_576 : memref<200x1x1x1x128xf32, #tpu.memory_space<hbm>> -> memref<200x128xf32, #tpu.memory_space<hbm>>
    %dma_wait3A_578 = arith.constant 0 : i32
    %dma_wait3A_579 = arith.constant 0 : i32
    %dma_wait3A_580 = tpu.memref_slice %arg4[%dma_wait3A_578, %dma_wait3A_572, %add3A, %dma_wait3A_573, %dma_wait3A_579] : memref<200x2x32x8x128xf32, #tpu.memory_space<hbm>> -> memref<200x1x1x1x128xf32, #tpu.memory_space<hbm>>
    %dma_wait3A_581 = tpu.memref_squeeze %dma_wait3A_580 : memref<200x1x1x1x128xf32, #tpu.memory_space<hbm>> -> memref<200x128xf32, #tpu.memory_space<hbm>>
    tpu.wait_dma2 semaphore(%arg10 : memref<!tpu.dma_semaphore, #tpu.memory_space<semaphore_mem>>) src(%arg7 : memref<200x128xf32, #tpu.memory_space<vmem>>) dst(%dma_wait3A_581 : memref<200x128xf32, #tpu.memory_space<hbm>>)
    %dma_start3A_582 = arith.constant 1 : i32
    %dma_start3A_583 = arith.constant 3 : i32
    %dma_start3A_584 = arith.constant 0 : i32
    %dma_start3A_585 = arith.constant 0 : i32
    %dma_start3A_586 = tpu.memref_slice %arg4[%dma_start3A_584, %dma_start3A_582, %add3A, %dma_start3A_583, %dma_start3A_585] : memref<200x2x32x8x128xf32, #tpu.memory_space<hbm>> -> memref<200x1x1x1x128xf32, #tpu.memory_space<hbm>>
    %dma_start3A_587 = tpu.memref_squeeze %dma_start3A_586 : memref<200x1x1x1x128xf32, #tpu.memory_space<hbm>> -> memref<200x128xf32, #tpu.memory_space<hbm>>
    %dma_start3A_588 = arith.constant 0 : i32
    %dma_start3A_589 = arith.constant 0 : i32
    %dma_start3A_590 = tpu.memref_slice %arg4[%dma_start3A_588, %dma_start3A_582, %add3A, %dma_start3A_583, %dma_start3A_589] : memref<200x2x32x8x128xf32, #tpu.memory_space<hbm>> -> memref<200x1x1x1x128xf32, #tpu.memory_space<hbm>>
    %dma_start3A_591 = tpu.memref_squeeze %dma_start3A_590 : memref<200x1x1x1x128xf32, #tpu.memory_space<hbm>> -> memref<200x128xf32, #tpu.memory_space<hbm>>
    tpu.enqueue_dma source(%arg7 : memref<200x128xf32, #tpu.memory_space<vmem>>) target(%dma_start3A_591 : memref<200x128xf32, #tpu.memory_space<hbm>>) target_semaphore(%arg11 : memref<!tpu.dma_semaphore, #tpu.memory_space<semaphore_mem>>)
    %barrier3A_592 = arith.constant 0 : index
    tpu.barrier barrier_id(%barrier3A_592)
    %mul3A_593 = arith.constant 62528 : i32
    %mul3A_594 = arith.muli %arg1, %mul3A_593 : i32
    %mul3A_595 = arith.constant 62528 : i32
    %mul3A_596 = arith.muli %arg1, %mul3A_595 : i32
    %dma_start3A_597 = arith.constant 12 : i32
    %dma_start3A_598 = tpu.memref_slice %arg8[%mul3A_596] : memref<1000448xf32, #tpu.memory_space<vmem_shared>> -> memref<62528xf32, #tpu.memory_space<vmem_shared>>
    %dma_start3A_599 = tpu.memref_slice %arg2[%dma_start3A_597, %mul3A_594] : memref<16x1000448xf32, #tpu.memory_space<hbm>> -> memref<1x62528xf32, #tpu.memory_space<hbm>>
    %dma_start3A_600 = tpu.memref_squeeze %dma_start3A_599 : memref<1x62528xf32, #tpu.memory_space<hbm>> -> memref<62528xf32, #tpu.memory_space<hbm>>
    tpu.enqueue_dma source(%dma_start3A_600 : memref<62528xf32, #tpu.memory_space<hbm>>) target(%dma_start3A_598 : memref<62528xf32, #tpu.memory_space<vmem_shared>>) target_semaphore(%arg9 : memref<!tpu.dma_semaphore, #tpu.memory_space<semaphore_mem>>)
    %dma_wait3A_601 = arith.constant 12 : i32
    %dma_wait3A_602 = tpu.memref_slice %arg8[%mul3A_596] : memref<1000448xf32, #tpu.memory_space<vmem_shared>> -> memref<62528xf32, #tpu.memory_space<vmem_shared>>
    %dma_wait3A_603 = tpu.memref_slice %arg2[%dma_wait3A_601, %mul3A_594] : memref<16x1000448xf32, #tpu.memory_space<hbm>> -> memref<1x62528xf32, #tpu.memory_space<hbm>>
    %dma_wait3A_604 = tpu.memref_squeeze %dma_wait3A_603 : memref<1x62528xf32, #tpu.memory_space<hbm>> -> memref<62528xf32, #tpu.memory_space<hbm>>
    tpu.wait_dma2 semaphore(%arg9 : memref<!tpu.dma_semaphore, #tpu.memory_space<semaphore_mem>>) src(%dma_wait3A_604 : memref<62528xf32, #tpu.memory_space<hbm>>) dst(%dma_wait3A_602 : memref<62528xf32, #tpu.memory_space<vmem_shared>>)
    %barrier3A_605 = arith.constant 0 : index
    tpu.barrier barrier_id(%barrier3A_605)
    %dma_wait3A_606 = arith.constant 0 : i32
    %dma_wait3A_607 = arith.constant 0 : i32
    %dma_wait3A_608 = arith.constant 0 : i32
    %dma_wait3A_609 = arith.constant 0 : i32
    %dma_wait3A_610 = tpu.memref_slice %arg4[%dma_wait3A_608, %dma_wait3A_606, %add3A, %dma_wait3A_607, %dma_wait3A_609] : memref<200x2x32x8x128xf32, #tpu.memory_space<hbm>> -> memref<200x1x1x1x128xf32, #tpu.memory_space<hbm>>
    %dma_wait3A_611 = tpu.memref_squeeze %dma_wait3A_610 : memref<200x1x1x1x128xf32, #tpu.memory_space<hbm>> -> memref<200x128xf32, #tpu.memory_space<hbm>>
    %dma_wait3A_612 = arith.constant 0 : i32
    %dma_wait3A_613 = arith.constant 0 : i32
    %dma_wait3A_614 = tpu.memref_slice %arg4[%dma_wait3A_612, %dma_wait3A_606, %add3A, %dma_wait3A_607, %dma_wait3A_613] : memref<200x2x32x8x128xf32, #tpu.memory_space<hbm>> -> memref<200x1x1x1x128xf32, #tpu.memory_space<hbm>>
    %dma_wait3A_615 = tpu.memref_squeeze %dma_wait3A_614 : memref<200x1x1x1x128xf32, #tpu.memory_space<hbm>> -> memref<200x128xf32, #tpu.memory_space<hbm>>
    tpu.wait_dma2 semaphore(%arg11 : memref<!tpu.dma_semaphore, #tpu.memory_space<semaphore_mem>>) src(%arg7 : memref<200x128xf32, #tpu.memory_space<vmem>>) dst(%dma_wait3A_615 : memref<200x128xf32, #tpu.memory_space<hbm>>)
    %scan3A_616 = arith.constant 0 : i32
    %scan3A_617 = arith.constant 0 : i32
    %scan3A_618 = arith.constant 200 : i32
    %scan3A_619 = arith.addi %scan3A_617, %scan3A_618 : i32
    %scan3A_620 = arith.constant 1 : i32
    scf.for %scan3A_703 = %scan3A_617 to %scan3A_619 step %scan3A_620  : i32 {
      %dma_start3A_704 = arith.constant 0 : i32
      %dma_start3A_705 = tpu.memref_slice %arg7[%scan3A_703, %dma_start3A_704] : memref<200x128xf32, #tpu.memory_space<vmem>> -> memref<1x128xf32, #tpu.memory_space<vmem>>
      %dma_start3A_706 = tpu.memref_squeeze %dma_start3A_705 : memref<1x128xf32, #tpu.memory_space<vmem>> -> memref<128xf32, #tpu.memory_space<vmem>>
      %dma_start3A_707 = arith.constant 0 : i32
      %dma_start3A_708 = tpu.memref_slice %arg6[%scan3A_703, %dma_start3A_707] : memref<200x128xi32, #tpu.memory_space<vmem>> -> memref<1x128xi32, #tpu.memory_space<vmem>>
      %dma_start3A_709 = tpu.memref_squeeze %dma_start3A_708 : memref<1x128xi32, #tpu.memory_space<vmem>> -> memref<128xi32, #tpu.memory_space<vmem>>
      %dma_start3A_710 = arith.constant 0 : i32
      %dma_start3A_711 = tpu.memref_slice %arg8[%dma_start3A_710] : memref<1000448xf32, #tpu.memory_space<vmem_shared>> -> memref<1000448xf32, #tpu.memory_space<vmem_shared>>
      tpu.enqueue_indirect_dma source(%dma_start3A_711 : memref<1000448xf32, #tpu.memory_space<vmem_shared>>) target(%dma_start3A_706 : memref<128xf32, #tpu.memory_space<vmem>>) offsets(%dma_start3A_709 : memref<128xi32, #tpu.memory_space<vmem>>) semaphore(%arg10 : memref<!tpu.dma_semaphore, #tpu.memory_space<semaphore_mem>>)
    }
    %scan3A_621 = arith.constant 200 : i32
    %dma_wait3A_622 = arith.constant 0 : i32
    %dma_wait3A_623 = arith.constant 0 : i32
    %dma_wait3A_624 = arith.constant 0 : i32
    %dma_wait3A_625 = arith.constant 0 : i32
    %dma_wait3A_626 = tpu.memref_slice %arg4[%dma_wait3A_624, %dma_wait3A_622, %add3A, %dma_wait3A_623, %dma_wait3A_625] : memref<200x2x32x8x128xf32, #tpu.memory_space<hbm>> -> memref<200x1x1x1x128xf32, #tpu.memory_space<hbm>>
    %dma_wait3A_627 = tpu.memref_squeeze %dma_wait3A_626 : memref<200x1x1x1x128xf32, #tpu.memory_space<hbm>> -> memref<200x128xf32, #tpu.memory_space<hbm>>
    %dma_wait3A_628 = arith.constant 0 : i32
    %dma_wait3A_629 = arith.constant 0 : i32
    %dma_wait3A_630 = tpu.memref_slice %arg4[%dma_wait3A_628, %dma_wait3A_622, %add3A, %dma_wait3A_623, %dma_wait3A_629] : memref<200x2x32x8x128xf32, #tpu.memory_space<hbm>> -> memref<200x1x1x1x128xf32, #tpu.memory_space<hbm>>
    %dma_wait3A_631 = tpu.memref_squeeze %dma_wait3A_630 : memref<200x1x1x1x128xf32, #tpu.memory_space<hbm>> -> memref<200x128xf32, #tpu.memory_space<hbm>>
    tpu.wait_dma2 semaphore(%arg10 : memref<!tpu.dma_semaphore, #tpu.memory_space<semaphore_mem>>) src(%arg7 : memref<200x128xf32, #tpu.memory_space<vmem>>) dst(%dma_wait3A_631 : memref<200x128xf32, #tpu.memory_space<hbm>>)
    %dma_start3A_632 = arith.constant 1 : i32
    %dma_start3A_633 = arith.constant 4 : i32
    %dma_start3A_634 = arith.constant 0 : i32
    %dma_start3A_635 = arith.constant 0 : i32
    %dma_start3A_636 = tpu.memref_slice %arg4[%dma_start3A_634, %dma_start3A_632, %add3A, %dma_start3A_633, %dma_start3A_635] : memref<200x2x32x8x128xf32, #tpu.memory_space<hbm>> -> memref<200x1x1x1x128xf32, #tpu.memory_space<hbm>>
    %dma_start3A_637 = tpu.memref_squeeze %dma_start3A_636 : memref<200x1x1x1x128xf32, #tpu.memory_space<hbm>> -> memref<200x128xf32, #tpu.memory_space<hbm>>
    %dma_start3A_638 = arith.constant 0 : i32
    %dma_start3A_639 = arith.constant 0 : i32
    %dma_start3A_640 = tpu.memref_slice %arg4[%dma_start3A_638, %dma_start3A_632, %add3A, %dma_start3A_633, %dma_start3A_639] : memref<200x2x32x8x128xf32, #tpu.memory_space<hbm>> -> memref<200x1x1x1x128xf32, #tpu.memory_space<hbm>>
    %dma_start3A_641 = tpu.memref_squeeze %dma_start3A_640 : memref<200x1x1x1x128xf32, #tpu.memory_space<hbm>> -> memref<200x128xf32, #tpu.memory_space<hbm>>
    tpu.enqueue_dma source(%arg7 : memref<200x128xf32, #tpu.memory_space<vmem>>) target(%dma_start3A_641 : memref<200x128xf32, #tpu.memory_space<hbm>>) target_semaphore(%arg11 : memref<!tpu.dma_semaphore, #tpu.memory_space<semaphore_mem>>)
    %barrier3A_642 = arith.constant 0 : index
    tpu.barrier barrier_id(%barrier3A_642)
    %mul3A_643 = arith.constant 62528 : i32
    %mul3A_644 = arith.muli %arg1, %mul3A_643 : i32
    %mul3A_645 = arith.constant 62528 : i32
    %mul3A_646 = arith.muli %arg1, %mul3A_645 : i32
    %dma_start3A_647 = arith.constant 13 : i32
    %dma_start3A_648 = tpu.memref_slice %arg8[%mul3A_646] : memref<1000448xf32, #tpu.memory_space<vmem_shared>> -> memref<62528xf32, #tpu.memory_space<vmem_shared>>
    %dma_start3A_649 = tpu.memref_slice %arg2[%dma_start3A_647, %mul3A_644] : memref<16x1000448xf32, #tpu.memory_space<hbm>> -> memref<1x62528xf32, #tpu.memory_space<hbm>>
    %dma_start3A_650 = tpu.memref_squeeze %dma_start3A_649 : memref<1x62528xf32, #tpu.memory_space<hbm>> -> memref<62528xf32, #tpu.memory_space<hbm>>
    tpu.enqueue_dma source(%dma_start3A_650 : memref<62528xf32, #tpu.memory_space<hbm>>) target(%dma_start3A_648 : memref<62528xf32, #tpu.memory_space<vmem_shared>>) target_semaphore(%arg9 : memref<!tpu.dma_semaphore, #tpu.memory_space<semaphore_mem>>)
    %dma_wait3A_651 = arith.constant 13 : i32
    %dma_wait3A_652 = tpu.memref_slice %arg8[%mul3A_646] : memref<1000448xf32, #tpu.memory_space<vmem_shared>> -> memref<62528xf32, #tpu.memory_space<vmem_shared>>
    %dma_wait3A_653 = tpu.memref_slice %arg2[%dma_wait3A_651, %mul3A_644] : memref<16x1000448xf32, #tpu.memory_space<hbm>> -> memref<1x62528xf32, #tpu.memory_space<hbm>>
    %dma_wait3A_654 = tpu.memref_squeeze %dma_wait3A_653 : memref<1x62528xf32, #tpu.memory_space<hbm>> -> memref<62528xf32, #tpu.memory_space<hbm>>
    tpu.wait_dma2 semaphore(%arg9 : memref<!tpu.dma_semaphore, #tpu.memory_space<semaphore_mem>>) src(%dma_wait3A_654 : memref<62528xf32, #tpu.memory_space<hbm>>) dst(%dma_wait3A_652 : memref<62528xf32, #tpu.memory_space<vmem_shared>>)
    %barrier3A_655 = arith.constant 0 : index
    tpu.barrier barrier_id(%barrier3A_655)
    %dma_wait3A_656 = arith.constant 0 : i32
    %dma_wait3A_657 = arith.constant 0 : i32
    %dma_wait3A_658 = arith.constant 0 : i32
    %dma_wait3A_659 = arith.constant 0 : i32
    %dma_wait3A_660 = tpu.memref_slice %arg4[%dma_wait3A_658, %dma_wait3A_656, %add3A, %dma_wait3A_657, %dma_wait3A_659] : memref<200x2x32x8x128xf32, #tpu.memory_space<hbm>> -> memref<200x1x1x1x128xf32, #tpu.memory_space<hbm>>
    %dma_wait3A_661 = tpu.memref_squeeze %dma_wait3A_660 : memref<200x1x1x1x128xf32, #tpu.memory_space<hbm>> -> memref<200x128xf32, #tpu.memory_space<hbm>>
    %dma_wait3A_662 = arith.constant 0 : i32
    %dma_wait3A_663 = arith.constant 0 : i32
    %dma_wait3A_664 = tpu.memref_slice %arg4[%dma_wait3A_662, %dma_wait3A_656, %add3A, %dma_wait3A_657, %dma_wait3A_663] : memref<200x2x32x8x128xf32, #tpu.memory_space<hbm>> -> memref<200x1x1x1x128xf32, #tpu.memory_space<hbm>>
    %dma_wait3A_665 = tpu.memref_squeeze %dma_wait3A_664 : memref<200x1x1x1x128xf32, #tpu.memory_space<hbm>> -> memref<200x128xf32, #tpu.memory_space<hbm>>
    tpu.wait_dma2 semaphore(%arg11 : memref<!tpu.dma_semaphore, #tpu.memory_space<semaphore_mem>>) src(%arg7 : memref<200x128xf32, #tpu.memory_space<vmem>>) dst(%dma_wait3A_665 : memref<200x128xf32, #tpu.memory_space<hbm>>)
    %scan3A_666 = arith.constant 0 : i32
    %scan3A_667 = arith.constant 0 : i32
    %scan3A_668 = arith.constant 200 : i32
    %scan3A_669 = arith.addi %scan3A_667, %scan3A_668 : i32
    %scan3A_670 = arith.constant 1 : i32
    scf.for %scan3A_703 = %scan3A_667 to %scan3A_669 step %scan3A_670  : i32 {
      %dma_start3A_704 = arith.constant 0 : i32
      %dma_start3A_705 = tpu.memref_slice %arg7[%scan3A_703, %dma_start3A_704] : memref<200x128xf32, #tpu.memory_space<vmem>> -> memref<1x128xf32, #tpu.memory_space<vmem>>
      %dma_start3A_706 = tpu.memref_squeeze %dma_start3A_705 : memref<1x128xf32, #tpu.memory_space<vmem>> -> memref<128xf32, #tpu.memory_space<vmem>>
      %dma_start3A_707 = arith.constant 0 : i32
      %dma_start3A_708 = tpu.memref_slice %arg6[%scan3A_703, %dma_start3A_707] : memref<200x128xi32, #tpu.memory_space<vmem>> -> memref<1x128xi32, #tpu.memory_space<vmem>>
      %dma_start3A_709 = tpu.memref_squeeze %dma_start3A_708 : memref<1x128xi32, #tpu.memory_space<vmem>> -> memref<128xi32, #tpu.memory_space<vmem>>
      %dma_start3A_710 = arith.constant 0 : i32
      %dma_start3A_711 = tpu.memref_slice %arg8[%dma_start3A_710] : memref<1000448xf32, #tpu.memory_space<vmem_shared>> -> memref<1000448xf32, #tpu.memory_space<vmem_shared>>
      tpu.enqueue_indirect_dma source(%dma_start3A_711 : memref<1000448xf32, #tpu.memory_space<vmem_shared>>) target(%dma_start3A_706 : memref<128xf32, #tpu.memory_space<vmem>>) offsets(%dma_start3A_709 : memref<128xi32, #tpu.memory_space<vmem>>) semaphore(%arg10 : memref<!tpu.dma_semaphore, #tpu.memory_space<semaphore_mem>>)
    }
    %scan3A_671 = arith.constant 200 : i32
    %dma_wait3A_672 = arith.constant 0 : i32
    %dma_wait3A_673 = arith.constant 0 : i32
    %dma_wait3A_674 = arith.constant 0 : i32
    %dma_wait3A_675 = arith.constant 0 : i32
    %dma_wait3A_676 = tpu.memref_slice %arg4[%dma_wait3A_674, %dma_wait3A_672, %add3A, %dma_wait3A_673, %dma_wait3A_675] : memref<200x2x32x8x128xf32, #tpu.memory_space<hbm>> -> memref<200x1x1x1x128xf32, #tpu.memory_space<hbm>>
    %dma_wait3A_677 = tpu.memref_squeeze %dma_wait3A_676 : memref<200x1x1x1x128xf32, #tpu.memory_space<hbm>> -> memref<200x128xf32, #tpu.memory_space<hbm>>
    %dma_wait3A_678 = arith.constant 0 : i32
    %dma_wait3A_679 = arith.constant 0 : i32
    %dma_wait3A_680 = tpu.memref_slice %arg4[%dma_wait3A_678, %dma_wait3A_672, %add3A, %dma_wait3A_673, %dma_wait3A_679] : memref<200x2x32x8x128xf32, #tpu.memory_space<hbm>> -> memref<200x1x1x1x128xf32, #tpu.memory_space<hbm>>
    %dma_wait3A_681 = tpu.memref_squeeze %dma_wait3A_680 : memref<200x1x1x1x128xf32, #tpu.memory_space<hbm>> -> memref<200x128xf32, #tpu.memory_space<hbm>>
    tpu.wait_dma2 semaphore(%arg10 : memref<!tpu.dma_semaphore, #tpu.memory_space<semaphore_mem>>) src(%arg7 : memref<200x128xf32, #tpu.memory_space<vmem>>) dst(%dma_wait3A_681 : memref<200x128xf32, #tpu.memory_space<hbm>>)
    %dma_start3A_682 = arith.constant 1 : i32
    %dma_start3A_683 = arith.constant 5 : i32
    %dma_start3A_684 = arith.constant 0 : i32
    %dma_start3A_685 = arith.constant 0 : i32
    %dma_start3A_686 = tpu.memref_slice %arg4[%dma_start3A_684, %dma_start3A_682, %add3A, %dma_start3A_683, %dma_start3A_685] : memref<200x2x32x8x128xf32, #tpu.memory_space<hbm>> -> memref<200x1x1x1x128xf32, #tpu.memory_space<hbm>>
    %dma_start3A_687 = tpu.memref_squeeze %dma_start3A_686 : memref<200x1x1x1x128xf32, #tpu.memory_space<hbm>> -> memref<200x128xf32, #tpu.memory_space<hbm>>
    %dma_start3A_688 = arith.constant 0 : i32
    %dma_start3A_689 = arith.constant 0 : i32
    %dma_start3A_690 = tpu.memref_slice %arg4[%dma_start3A_688, %dma_start3A_682, %add3A, %dma_start3A_683, %dma_start3A_689] : memref<200x2x32x8x128xf32, #tpu.memory_space<hbm>> -> memref<200x1x1x1x128xf32, #tpu.memory_space<hbm>>
    %dma_start3A_691 = tpu.memref_squeeze %dma_start3A_690 : memref<200x1x1x1x128xf32, #tpu.memory_space<hbm>> -> memref<200x128xf32, #tpu.memory_space<hbm>>
    tpu.enqueue_dma source(%arg7 : memref<200x128xf32, #tpu.memory_space<vmem>>) target(%dma_start3A_691 : memref<200x128xf32, #tpu.memory_space<hbm>>) target_semaphore(%arg11 : memref<!tpu.dma_semaphore, #tpu.memory_space<semaphore_mem>>)
    %barrier3A_692 = arith.constant 0 : index
    tpu.barrier barrier_id(%barrier3A_692)
    %dma_wait3A_693 = arith.constant 0 : i32
    %dma_wait3A_694 = arith.constant 0 : i32
    %dma_wait3A_695 = arith.constant 0 : i32
    %dma_wait3A_696 = arith.constant 0 : i32
    %dma_wait3A_697 = tpu.memref_slice %arg4[%dma_wait3A_695, %dma_wait3A_693, %add3A, %dma_wait3A_694, %dma_wait3A_696] : memref<200x2x32x8x128xf32, #tpu.memory_space<hbm>> -> memref<200x1x1x1x128xf32, #tpu.memory_space<hbm>>
    %dma_wait3A_698 = tpu.memref_squeeze %dma_wait3A_697 : memref<200x1x1x1x128xf32, #tpu.memory_space<hbm>> -> memref<200x128xf32, #tpu.memory_space<hbm>>
    %dma_wait3A_699 = arith.constant 0 : i32
    %dma_wait3A_700 = arith.constant 0 : i32
    %dma_wait3A_701 = tpu.memref_slice %arg4[%dma_wait3A_699, %dma_wait3A_693, %add3A, %dma_wait3A_694, %dma_wait3A_700] : memref<200x2x32x8x128xf32, #tpu.memory_space<hbm>> -> memref<200x1x1x1x128xf32, #tpu.memory_space<hbm>>
    %dma_wait3A_702 = tpu.memref_squeeze %dma_wait3A_701 : memref<200x1x1x1x128xf32, #tpu.memory_space<hbm>> -> memref<200x128xf32, #tpu.memory_space<hbm>>
    tpu.wait_dma2 semaphore(%arg11 : memref<!tpu.dma_semaphore, #tpu.memory_space<semaphore_mem>>) src(%arg7 : memref<200x128xf32, #tpu.memory_space<vmem>>) dst(%dma_wait3A_702 : memref<200x128xf32, #tpu.memory_space<hbm>>)
    return
  }
}

</mosaic_0001>

<sc_bundles>
// kernel: kernel.3.cloned.1.call-start
scs
__scs_entry_jumppad:
0x0: {  	(pc) =	sbr.rel $0x88, $3  }
0x1: {  	(tag) =	ssettag $0x0;
	lr =	simm.s32 $0x1  }
0x2: {  	[smem:$0x3F9F] =	sst lr;
	_ =	strace $0xD0000000  }
0x3: {  	_ = 	snop  }
0x4: {  	_ = 	snop  }
0x5: {  	_ = 	snop  }
0x6: {  	_ = 	snop  }
0x7: {  	_ = 	snop  }
__scs_overlays_trampoline_lowered:
0x8: {  	[smem:$0x3FAE] =	sst s0  }
0x9: {  	[smem:$0x3FAF] =	sst s1  }
0xa: {  	[smem:$0x3FB0] =	sst s2  }
0xb: {  	[smem:$0x3FB1] =	sst s3  }
0xc: {  	[smem:$0x3FB2] =	sst s4  }
0xd: {  	[smem:$0x3FB3] =	sst s5  }
0xe: {  	[smem:$0x3FB4] =	sst s6  }
0xf: {  	[smem:$0x3FB5] =	sst s7  }
0x10: {  	[smem:$0x3FB6] =	sst s8  }
0x11: {  	[smem:$0x3FB7] =	sst s9;
	s0 =	simm.s32 @!p0 $0x0  }
0x12: {  	s1 =	sld [smem:$0x3F9D];
	s0 =	simm.s32 @p0 $0x1  }
0x13: {  	[smem:$0x3FB8] =	sst s0;
	s0 =	simm.s32 @!p1 $0x0  }
0x14: {  	s2 =	sld [smem:$0x3F9C];
	s0 =	simm.s32 @p1 $0x1  }
0x15: {  	[smem:$0x3FB9] =	sst s0;
	s0 =	simm.s32 @!p2 $0x0  }
0x16: {  	s3 =	sld [smem:$0x3FDB];
	s0 =	simm.s32 @p2 $0x1  }
0x17: {  	s4 =	simm.s32 $0x1BF5;
	[smem:$0x3FBB] =	sst s0  }
0x18: {  	s0 =	sld [smem:$0x3F9E];
	_ =	swait.ge [sflag:s4], $0x0  }
0x19: {  	s7 =	sld [smem:$0x3F9F]  }
0x1a: {  	s8 =	sadd.s32 $0xFFFFE003, lr  }
0x1b: {  	s9 =	sadd.s32 $0xFFFFFEF7, lr;
	s5 =	simm.s32 $0xFFFFFFFF;
	p2 =	slt.u32 s8, $0xFFFFF086  }
0x1c: {  	p1 =	slt.u32 s9, $0xF7A;
	s5 =	simm.s32 @!p2 $0x0  }
0x1d: {  	s5 =	simm.s32 @p1 $0x1;
	p0 =	seq.s32 s7, s2  }
0x1e: {  	s7 =	smul.u32 @!p0 $0xF7A, s2;
	p2 =	seq.s32 @!p0 s5, $0x0  }
0x1f: {  	s9 =	smul.u32 $0xF7A, s1;
	s8 =	simm.s32 @!p0 $0x1BF5;
	p2 =	por !p2, p0  }
0x20: {  	[sflag:s8] =	ssyncset.s32 @!p0 $0xFFFFF086;
	s6 =	sadd.s32 @!p0 s3, s7;
	s7 =	simm.s32 @!p0 $0x108  }
0x21: {  	s3 =	sadd.s32 s3, s9;
	s6 =	sadd.s32 @!p0 $0x88, s6;
	s7 =	simm.s32 @p2 $0x1082  }
0x22: {  	[simem:s7], [sflag:s8] =	dma.local @!p0 [hbm:s6], $0xF7A  }
0x23: {  	s9 =	sor.u32 $0xD0000000, s2;
	s6 =	simm.s32 $0x108;
	_ =	swait.ge @!p0 [sflag:s8], $0x0  }
0x24: {  	s3 =	sadd.s32 $0x88, s3;
	s6 =	simm.s32 @!p1 $0x1082;
	[sflag:s4] =	ssyncset.s32 $0xFFFFF086  }
0x25: {  	[simem:s6], [sflag:s4] =	dma.local [hbm:s3], $0xF7A  }
0x26: {  	[smem:$0x3F9F] =	sst s1;
	(tag) =	ssettag s2;
	_ =	strace s9  }
0x27: {  	s1 =	sld [smem:$0x3FAF]  }
0x28: {  	s2 =	sld [smem:$0x3FB0]  }
0x29: {  	s4 =	sld [smem:$0x3FB2]  }
0x2a: {  	p0 =	seq.s32 s5, $0x0;
	s5 =	sld [smem:$0x3FB3]  }
0x2b: {  	s6 =	sld [smem:$0x3FB4]  }
0x2c: {  	s7 =	sld [smem:$0x3FB5]  }
0x2d: {  	s3 =	simm.s32 $0x108;
	s8 =	sld [smem:$0x3FB6]  }
0x2e: {  	s3 =	simm.s32 @!p0 $0x1082;
	s9 =	sld [smem:$0x3FB7]  }
0x2f: {  	lr =	sadd.s32 s0, s3;
	s0 =	sld [smem:$0x3FAE]  }
0x30: {  	s3 =	sld [smem:$0x3FB1]  }
0x31: {  	[smem:$0x3FBA] =	sst s10  }
0x32: {  	s10 =	sld [smem:$0x3FB8];
	_ =	sdelay $0x3  }
0x33: {  	p0 =	seq.s32 s10, $0x1;
	s10 =	sld [smem:$0x3FBA];
	_ =	sdelay $0x3  }
0x34: {  	[smem:$0x3FBA] =	sst s10  }
0x35: {  	s10 =	sld [smem:$0x3FB9];
	_ =	sdelay $0x3  }
0x36: {  	p1 =	seq.s32 s10, $0x1;
	s10 =	sld [smem:$0x3FBA];
	_ =	sdelay $0x3  }
0x37: {  	[smem:$0x3FBA] =	sst s10  }
0x38: {  	s10 =	sld [smem:$0x3FBB]  }
0x39: {  	_ = 	snop;
	(pc) =	sbr.ind lr, $3  }
0x3a: {  	_ = 	snop  }
0x3b: {  	_ = 	snop  }
0x3c: {  	p2 =	seq.s32 s10, $0x1;
	s10 =	sld [smem:$0x3FBA]  }
0x3d: {  	_ =	shalt  }
0x3e: {  	_ =	shalt  }
0x3f: {  	_ =	shalt  }
0x40: {  	_ =	shalt  }
0x41: {  	_ =	shalt  }
0x42: {  	_ =	shalt  }
0x43: {  	_ =	shalt  }
0x44: {  	_ =	shalt  }
0x45: {  	_ =	shalt  }
0x46: {  	_ =	shalt  }
0x47: {  	_ =	shalt  }
0x48: {  	_ =	shalt  }
0x49: {  	_ =	shalt  }
0x4a: {  	_ =	shalt  }
0x4b: {  	_ =	shalt  }
0x4c: {  	_ =	shalt  }
0x4d: {  	_ =	shalt  }
0x4e: {  	_ =	shalt  }
0x4f: {  	_ =	shalt  }
0x50: {  	_ =	shalt  }
0x51: {  	_ =	shalt  }
0x52: {  	_ =	shalt  }
0x53: {  	_ =	shalt  }
0x54: {  	_ =	shalt  }
0x55: {  	_ =	shalt  }
0x56: {  	_ =	shalt  }
0x57: {  	_ =	shalt  }
0x58: {  	_ =	shalt  }
0x59: {  	_ =	shalt  }
0x5a: {  	_ =	shalt  }
0x5b: {  	_ =	shalt  }
0x5c: {  	_ =	shalt  }
0x5d: {  	_ =	shalt  }
0x5e: {  	_ =	shalt  }
0x5f: {  	_ =	shalt  }
0x60: {  	_ =	shalt  }
0x61: {  	_ =	shalt  }
0x62: {  	_ =	shalt  }
0x63: {  	_ =	shalt  }
0x64: {  	_ =	shalt  }
0x65: {  	_ =	shalt  }
0x66: {  	_ =	shalt  }
0x67: {  	_ =	shalt  }
0x68: {  	_ =	shalt  }
0x69: {  	_ =	shalt  }
0x6a: {  	_ =	shalt  }
0x6b: {  	_ =	shalt  }
0x6c: {  	_ =	shalt  }
0x6d: {  	_ =	shalt  }
0x6e: {  	_ =	shalt  }
0x6f: {  	_ =	shalt  }
0x70: {  	_ =	shalt  }
0x71: {  	_ =	shalt  }
0x72: {  	_ =	shalt  }
0x73: {  	_ =	shalt  }
0x74: {  	_ =	shalt  }
0x75: {  	_ =	shalt  }
0x76: {  	_ =	shalt  }
0x77: {  	_ =	shalt  }
0x78: {  	_ =	shalt  }
0x79: {  	_ =	shalt  }
0x7a: {  	_ =	shalt  }
0x7b: {  	_ =	shalt  }
0x7c: {  	_ =	shalt  }
0x7d: {  	_ =	shalt  }
0x7e: {  	_ =	shalt  }
0x7f: {  	_ =	shalt  }
0x80: {  	_ =	shalt  }
0x81: {  	_ =	shalt  }
0x82: {  	_ =	shalt  }
0x83: {  	_ =	shalt  }
0x84: {  	_ =	shalt  }
0x85: {  	_ =	shalt  }
0x86: {  	_ =	shalt  }
0x87: {  	_ =	shalt  }
.Lfunc_end0:
.L_simem_size_0:
called_computation.1_lowered:
.L_overlay_start_0:
0x88: {  	s2 =	sld [smem:$0x3FD9]  }
0x89: {  	s3 =	sld [smem:$0x3FFE];
	_ =	sdelay $0x1  }
0x8a: {  	s1 =	srdreg.scid  }
0x8b: {  	s0 =	sand.u32 $0x1, s1  }
0x8c: {  	s17 =	sshll.u32 s0, $0xA;
	s2 =	sadd.s32 s3, s2  }
0x8d: {  	s2 =	sadd.s32 s2, s17  }
0x8e: {  	[smem:$0x3FC6] =	sst s2  }
0x8f: {  	_ = 	snop  }
0x90: {  	s2 =	sld [smem:$0x3FC9]  }
0x91: {  	s18 =	sld [smem:$0x3FD0];
	(tm) =	ssettm $0x1  }
0x92: {  	s4 =	sld [smem:$0x3FFB];
	_ =	sdelay $0x3  }
0x93: {  	_ =	strace s4  }
0x94: {  	s4 =	sld [smem:$0x3FFC];
	_ =	sdelay $0x3  }
0x95: {  	_ =	strace s4  }
0x96: {  	s4 =	sld [smem:$0x3FFD];
	_ =	sdelay $0x3  }
0x97: {  	_ =	strace s4  }
0x98: {  	_ =	strace $0x8FFFFFFF  }
0x99: {  	s19 =	sld [smem:$0x3FDB];
	_ =	sdelay $0x1  }
0x9a: {  	s5 =	simm.s32 $_scs_section_size  }
0x9b: {  	s6 =	simm.s32 $_size__tile_overlayer_lowered;
	s7 =	simm.s32 $_tile_overlayer_lowered  }
0x9c: {  	s22 =	simm.s32 $0x1BFF;
	s21 =	sshll.u32 s7, $0x1;
	s4 =	sadd.s32 s5, s19  }
0x9d: {  	s8 =	simm.s32 $0x0;
	s20 =	sshll.u32 s6, $0x1;
	s6 =	sadd.s32 s21, s4  }
0x9e: {  	[timem:s8], [sflag:s22] =	dma.local [hbm:s6], s20  }
0x9f: {  	_ =	swait.ge [sflag:s22], s20  }
0xa0: {  	s5 =	ssub.s32 $0x0, s20;
	[sflag:s22] =	ssyncset.done $0x0  }
0xa1: {  	[sflag:s22] =	ssyncadd.s32 s5;
	_ =	sdelay $0x1  }
0xa2: {  	s23 =	simm.s32 $0x1B8B  }
0xa3: {  	_ =	swait.ge [sflag:s23], $0x1  }
0xa4: {  	[sflag:s23] =	ssyncset.done $0x0  }
0xa5: {  	s25 =	simm.s32 $0x1B8E;
	s24 =	sld [smem:$0x3FFE];
	[sflag:s23] =	ssyncadd.s32 $0xFFFFFFFF  }
0xa6: {  	s26 =	simm.s32 $execute0_lowered;
	[smem:$0x3FD2] =	sst s25  }
0xa7: {  	s6 =	sshll.u32 s26, $0x1;
	_ =	strace $0x80000049;
	[dreg:$0x1] =	wrdreg $0xFFFFFFFF  }
0xa8: {  	s28 =	simm.s32 $_size_execute0_lowered;
	s4 =	sadd.s32 s4, s6;
	[dreg:$0x0] =	wrdreg $0x0  }
0xa9: {  	s6 =	sshll.u32 s28, $0x1;
	[dreg:$0x2] =	wrdreg s4  }
0xaa: {  	[dreg:$0x3] =	wrdreg s6  }
0xab: {  	[dreg:$0x4] =	wrdreg $0xC0  }
0xac: {  	_ =	task [dreg:s8], $0x5FFFF  }
0xad: {  	[dreg:$0x1] =	wrdreg $0xFFFFFFFF  }
0xae: {  	[dreg:$0x0] =	wrdreg $0x60  }
0xaf: {  	[dreg:$0x2] =	wrdreg s24  }
0xb0: {  	[dreg:$0x3] =	wrdreg s2  }
0xb1: {  	[dreg:$0x4] =	wrdreg s18  }
0xb2: {  	[dreg:$0x5] =	wrdreg $0xE1000  }
0xb3: {  	[dreg:$0x6] =	wrdreg $0x9  }
0xb4: {  	_ =	task.clear_ibuf [dreg:s8], $0x7FFFF;
	_ =	strace $0x90000049  }
0xb5: {  	s29 =	simm.s32 $0x9;
	_ =	strace $0x8000004B  }
0xb6: {  	_ =	swait.ge [sflag:s29], $0x1  }
0xb7: {  	[sflag:s29] =	ssyncadd.s32 $0xFFFFFFFF  }
0xb8: {  	_ =	strace $0x9000004B  }
0xb9: {  	_ =	sfence  }
0xba: {  	s30 =	sld [smem:$0x0];
	_ =	sdelay $0x2  }
0xbb: {  	s31 =	sshll.u32 s1, $0xD;
	s1 =	sshrl.u32 s1, $0x2  }
0xbc: {  	s3 =	sand.u32 $0x4000, s31;
	s1 =	sadd.s32 s1, s30  }
0xbd: {  	s0 =	sor.u32 s3, s0;
	s1 =	sshll.u32 s1, $0x11  }
0xbe: {  	s0 =	sor.u32 s1, s0  }
0xbf: {  	s0 =	sadd.s32 $0x8F2B, s0  }
0xc0: {  	[sflag:s0] =	ssyncadd.remote.s32 $0x1  }
0xc1: {  	_ =	sfence.sel $0xFFFF  }
0xc2: {  	[dreg:$0x0] =	wrdreg $0xFFFFFFFF;
	(pc) =	sbr.abs _section_cstart, $3  }
0xc3: {  	[dreg:$0x1] =	wrdreg $0xFFFFFFFF  }
0xc4: {  	_ =	task.clear_ibuf [dreg:s8], $0x2FFFF;
	_ =	strace $0x9FFFFFFF  }
0xc5: {  	(tm) =	ssettm $0x7FFFFFFF  }
tec
execute0_lowered:
.L_overlay_start_1:
0x0: {  	(tag) =	ssettag $0x1  }
0x1: {  	s0 =	rddreg [dreg:$0x0]  }
0x2: {  	s2 =	rddreg [dreg:$0x1];
	s7 =	stileid.u32  }
0x3: {  	s1 =	rddreg [dreg:$0x2];
	s8 =	smul.u32 $0xF440, s7  }
0x4: {  	s3 =	rddreg [dreg:$0x3];
	s4 =	simm.s32 $0x0;
	s5 =	srdreg.scid  }
0x5: {  	[smem:$0x7FF] =	sst s4;
	s5 =	sand.u32 $0x1, s5;
	s6 =	sshrl.u32 s8, $0x3  }
0x6: {  	s7 =	sshll.u32 s7, $0x1;
	s8 =	sadd.s32 s8, s3;
	s0 =	sadd.s32 s6, s0  }
0x7: {  	_ =	strace $0x8000004A;
	[dreg:$0xd] =	wrdreg s8;
	s11 =	sadd.s32 $0x1E9000, s0  }
0x8: {  	s9 =	sor.u32 s5, s7;
	s28 =	sadd.s32 $0x207880, s0;
	[dreg:$0x5] =	wrdreg s11  }
0x9: {  	s10 =	ssub.s32 $0x2, s5;
	s12 =	sadd.s32 $0x226100, s0;
	[dreg:$0x6] =	wrdreg s28  }
0xa: {  	s7 =	sadd.s32 $0x1070, s1;
	s30 =	sadd.s32 $0x244980, s0;
	[dreg:$0x7] =	wrdreg s12  }
0xb: {  	s5 =	sshll.u32 s9, $0xA;
	s31 =	sadd.s32 $0x263200, s0;
	[dreg:$0x8] =	wrdreg s30  }
0xc: {  	s29 =	sshrl.u32 s10, $0x1;
	s13 =	sadd.s32 $0x2A0300, s0;
	[dreg:$0x9] =	wrdreg s31  }
0xd: {  	s14 =	sshll.u32 s9, $0x8;
	s15 =	sadd.s32 $0x2BEB80, s0;
	[dreg:$0xb] =	wrdreg s13  }
0xe: {  	s18 =	sshll.u32 s9, $0x7;
	s16 =	sadd.s32 $0x2DD400, s0;
	[dreg:$0xc] =	wrdreg s15  }
0xf: {  	s6 =	sadd.s32 $0x1060, s1;
	s17 =	sadd.s32 $0x2FBC80, s0;
	[dreg:$0xe] =	wrdreg s16  }
0x10: {  	s10 =	ssub.s32 s10, s29;
	s19 =	sadd.s32 $0x31A500, s0;
	[dreg:$0xf] =	wrdreg s17  }
0x11: {  	s22 =	sadd.s32 s1, s18;
	s20 =	sadd.s32 $0x338D80, s0;
	[dreg:$0x10] =	wrdreg s19  }
0x12: {  	s18 =	simm.s32 $0x1;
	s21 =	sadd.s32 $0x357600, s0;
	[dreg:$0x11] =	wrdreg s20  }
0x13: {  	s23 =	smax.u32 s10, $0x1;
	s24 =	sadd.s32 $0x10, s22;
	[dreg:$0x12] =	wrdreg s21  }
0x14: {  	s25 =	sadd.s32 $0x20, s22;
	s26 =	sadd.s32 $0x30, s22;
	[dreg:$0x14] =	wrdreg s23  }
0x15: {  	s29 =	sadd.s32 $0x50, s22;
	s8 =	sadd.s32 $0x1000, s22;
	[dreg:$0x15] =	wrdreg s24  }
0x16: {  	s9 =	sadd.s32 $0x1010, s22;
	s10 =	sadd.s32 $0x1020, s22;
	[dreg:$0x16] =	wrdreg s25  }
0x17: {  	s12 =	sadd.s32 $0x281A80, s0;
	s0 =	sadd.s32 $0x375E80, s0;
	[dreg:$0x17] =	wrdreg s26  }
0x18: {  	s28 =	sadd.s32 $0x40, s22;
	[dreg:$0x19] =	wrdreg s29;
	s30 =	sadd.s32 $0x60, s22  }
0x19: {  	s31 =	sadd.s32 $0x70, s22;
	s11 =	sadd.s32 $0x1030, s22;
	s13 =	sadd.s32 $0x1050, s22  }
0x1a: {  	s15 =	simm.s32 $0x100;
	s16 =	simm.s32 $0x2000;
	[dreg:$0xa] =	wrdreg s12  }
0x1b: {  	s17 =	simm.s32 $0x4;
	s19 =	simm.s32 $0x80;
	[dreg:$0x13] =	wrdreg s0  }
0x1c: {  	s20 =	simm.s32 $0x2;
	s21 =	simm.s32 $0x10000;
	[dreg:$0x18] =	wrdreg s28  }
0x1d: {  	s23 =	simm.s32 $0x7D00;
	s24 =	simm.s32 $0x3;
	[dreg:$0x1a] =	wrdreg s30  }
0x1e: {  	s25 =	simm.s32 $0x0;
	[dreg:$0x1b] =	wrdreg s31;
	s12 =	sadd.s32 $0x1040, s22  }
.LBB2_1:
0x1f: {  	s26 =	simm.s32 $0x1940;
	s28 =	simm.s32 $0x0  }
.LBB2_2:
0x20: {  	s0 =	smul.u32 $0x32000, s28;
	_ =	sdelay $0x1  }
0x21: {  	s1 =	smul.u32 $0x190000, s28;
	s0 =	sor.u32 s14, s0  }
0x22: {  	s0 =	sshrl.u32 s0, $0x3  }
0x23: {  	s1 =	sor.u32 s5, s1;
	s0 =	sadd.s32 s2, s0  }
0x24: {  	[tilespmem:s4], [sflag:$0x4] =	stream.strided.gather [hbm4b:s0+s15], $0x1900, s16, s15, $0x38;
	[tilespmem:$0x1D540] =	vst v63  }
0x25: {  	s29 =	sshrl.u32 s1, $0x3;
	_ =	swait.ge [sflag:s17], $0x1900  }
0x26: {  	s31 =	simm.s32 $0x600;
	s30 =	sadd.s32 s29, s6;
	[sflag:s17] =	ssyncset.done $0x0  }
0x27: {  	s1 =	simm.s32 $0x80;
	s0 =	sadd.s32 $0x2000, s30;
	[sflag:s17] =	ssyncadd.s32 $0xFFFFE700  }
.LBB2_3:
0x28: {  	[hbm4b:s30+s4] =	stream.linear.scatter [tilespmem:s1], [sflag:$0x4], $0x80, $0x38;
	[tilespmem:$0x1D540] =	vst v63  }
0x29: {  	s1 =	smov.u32 s31;
	s30 =	smov.u32 s0;
	p0 =	sne.s32 s31, $0x6200  }
.Ltmp0:
0x2a: {  	s31 =	sadd.s32 $0x400, s31;
	(pc) =	sbr.rel @p0 .LBB2_3-.Ltmp0, $2  }
0x2b: {  	_ =	sdelay $0x2  }
0x2c: {  	s0 =	sadd.s32 $0x2000, s0;
	s1 =	sshra.s32 s1, $0x2  }
0x2d: {  	[hbm4b:s30+s4] =	stream.linear.scatter [tilespmem:s1], [sflag:$0x4], $0x80, $0x38;
	[tilespmem:$0x1D540] =	vst v63  }
0x2e: {  	_ =	swait.ge [sflag:s17], $0xC80  }
0x2f: {  	s29 =	sadd.s32 s29, s7;
	s30 =	simm.s32 $0x600;
	[sflag:s17] =	ssyncset.done $0x0  }
0x30: {  	s1 =	simm.s32 $0x80;
	s0 =	sadd.s32 $0x2000, s29;
	[sflag:s17] =	ssyncadd.s32 $0xFFFFF380  }
.LBB2_5:
0x31: {  	[hbm4b:s29+s4] =	stream.linear.scatter [tilespmem:s1], [sflag:$0x4], $0x80, $0x38;
	[tilespmem:$0x1D540] =	vst v63  }
0x32: {  	s1 =	smov.u32 s30;
	s29 =	smov.u32 s0;
	p0 =	sne.s32 s30, $0x6200  }
.Ltmp1:
0x33: {  	s30 =	sadd.s32 $0x400, s30;
	(pc) =	sbr.rel @p0 .LBB2_5-.Ltmp1, $2  }
0x34: {  	_ =	sdelay $0x2  }
0x35: {  	s0 =	sadd.s32 $0x2000, s0;
	s1 =	sshra.s32 s1, $0x2  }
0x36: {  	[hbm4b:s29+s4] =	stream.linear.scatter [tilespmem:s1], [sflag:$0x4], $0x80, $0x38;
	[tilespmem:$0x1D540] =	vst v63  }
0x37: {  	_ =	swait.ge [sflag:s17], $0xC80  }
0x38: {  	[sflag:s17] =	ssyncset.done $0x0  }
0x39: {  	s29 =	simm.s32 $0x40;
	[sflag:s17] =	ssyncadd.s32 $0xFFFFF380  }
0x3a: {  	v1 =	vld [tilespmem:s29+$0xFFFFFFC0];
	_ =	sdelay $0x2  }
0x3b: {  	v0 =	vmov s26;
	_ =	sdelay $0x1  }
0x3c: {  	v1 =	vtrunc.f32 v1  }
0x3d: {  	v1 =	vcvt.f32.s32 v1  }
0x3e: {  	s30 =	simm.s32 $0x0  }
0x3f: {  	[tilespmem:v0+s30+$0xFFFFFFC0 ss:$0x1] =	vst.idx.msk $0xffff, v1  }
0x40: {  	v1 =	vld [tilespmem:s29+$0xFFFFFFD0];
	_ =	sdelay $0x4  }
0x41: {  	v1 =	vtrunc.f32 v1  }
0x42: {  	v1 =	vcvt.f32.s32 v1;
	_ =	sdelay $0x1  }
0x43: {  	[tilespmem:v0+s30+$0xFFFFFFD0 ss:$0x1] =	vst.idx.msk $0xffff, v1  }
0x44: {  	v1 =	vld [tilespmem:s29+$0xFFFFFFE0];
	_ =	sdelay $0x4  }
0x45: {  	v1 =	vtrunc.f32 v1  }
0x46: {  	v1 =	vcvt.f32.s32 v1;
	_ =	sdelay $0x1  }
0x47: {  	[tilespmem:v0+s30+$0xFFFFFFE0 ss:$0x1] =	vst.idx.msk $0xffff, v1  }
0x48: {  	v1 =	vld [tilespmem:s29+$0xFFFFFFF0];
	_ =	sdelay $0x4  }
0x49: {  	v1 =	vtrunc.f32 v1  }
0x4a: {  	v1 =	vcvt.f32.s32 v1;
	_ =	sdelay $0x1  }
0x4b: {  	[tilespmem:v0+s30+$0xFFFFFFF0 ss:$0x1] =	vst.idx.msk $0xffff, v1  }
0x4c: {  	v1 =	vld [tilespmem:s29+$0x0];
	_ =	sdelay $0x4  }
0x4d: {  	v1 =	vtrunc.f32 v1  }
0x4e: {  	v1 =	vcvt.f32.s32 v1;
	_ =	sdelay $0x1  }
0x4f: {  	[tilespmem:v0+s30+$0x0 ss:$0x1] =	vst.idx.msk $0xffff, v1  }
0x50: {  	v1 =	vld [tilespmem:s29+$0x10];
	_ =	sdelay $0x4  }
0x51: {  	v1 =	vtrunc.f32 v1  }
0x52: {  	v1 =	vcvt.f32.s32 v1;
	_ =	sdelay $0x1  }
0x53: {  	[tilespmem:v0+s30+$0x10 ss:$0x1] =	vst.idx.msk $0xffff, v1  }
0x54: {  	v1 =	vld [tilespmem:s29+$0x20];
	_ =	sdelay $0x4  }
0x55: {  	v1 =	vtrunc.f32 v1  }
0x56: {  	v1 =	vcvt.f32.s32 v1;
	_ =	sdelay $0x1  }
0x57: {  	[tilespmem:v0+s30+$0x20 ss:$0x1] =	vst.idx.msk $0xffff, v1  }
0x58: {  	v1 =	vld [tilespmem:s29+$0x30];
	_ =	sdelay $0x4  }
0x59: {  	v1 =	vtrunc.f32 v1  }
0x5a: {  	s31 =	simm.s32 $0x200;
	v1 =	vcvt.f32.s32 v1  }
.LBB2_7:
0x5b: {  	p0 =	sne.s32 s31, $0x3000  }
0x5c: {  	s29 =	sadd.s32 $0x100, s29;
	s0 =	smov.u32 s31;
	s31 =	sadd.s32 $0x200, s31;
	[tilespmem:v0+s30+$0x30 ss:$0x1] =	vst.idx.msk $0xffff, v1  }
0x5d: {  	v1 =	vld [tilespmem:s29+$0xFFFFFFC0];
	_ =	sdelay $0x4  }
0x5e: {  	v1 =	vtrunc.f32 v1  }
0x5f: {  	v1 =	vcvt.f32.s32 v1  }
0x60: {  	s30 =	sshra.s32 s0, $0x2  }
0x61: {  	[tilespmem:v0+s30+$0xFFFFFFC0 ss:$0x1] =	vst.idx.msk $0xffff, v1  }
0x62: {  	v1 =	vld [tilespmem:s29+$0xFFFFFFD0];
	_ =	sdelay $0x4  }
0x63: {  	v1 =	vtrunc.f32 v1  }
0x64: {  	v1 =	vcvt.f32.s32 v1;
	_ =	sdelay $0x1  }
0x65: {  	[tilespmem:v0+s30+$0xFFFFFFD0 ss:$0x1] =	vst.idx.msk $0xffff, v1  }
0x66: {  	v1 =	vld [tilespmem:s29+$0xFFFFFFE0];
	_ =	sdelay $0x4  }
0x67: {  	v1 =	vtrunc.f32 v1  }
0x68: {  	v1 =	vcvt.f32.s32 v1;
	_ =	sdelay $0x1  }
0x69: {  	[tilespmem:v0+s30+$0xFFFFFFE0 ss:$0x1] =	vst.idx.msk $0xffff, v1  }
0x6a: {  	v1 =	vld [tilespmem:s29+$0xFFFFFFF0];
	_ =	sdelay $0x4  }
0x6b: {  	v1 =	vtrunc.f32 v1  }
0x6c: {  	v1 =	vcvt.f32.s32 v1;
	_ =	sdelay $0x1  }
0x6d: {  	[tilespmem:v0+s30+$0xFFFFFFF0 ss:$0x1] =	vst.idx.msk $0xffff, v1  }
0x6e: {  	v1 =	vld [tilespmem:s29+$0x0];
	_ =	sdelay $0x4  }
0x6f: {  	v1 =	vtrunc.f32 v1  }
0x70: {  	v1 =	vcvt.f32.s32 v1;
	_ =	sdelay $0x1  }
0x71: {  	[tilespmem:v0+s30+$0x0 ss:$0x1] =	vst.idx.msk $0xffff, v1  }
0x72: {  	v1 =	vld [tilespmem:s29+$0x10];
	_ =	sdelay $0x4  }
0x73: {  	v1 =	vtrunc.f32 v1  }
0x74: {  	v1 =	vcvt.f32.s32 v1;
	_ =	sdelay $0x1  }
0x75: {  	[tilespmem:v0+s30+$0x10 ss:$0x1] =	vst.idx.msk $0xffff, v1  }
0x76: {  	v1 =	vld [tilespmem:s29+$0x20];
	_ =	sdelay $0x4  }
0x77: {  	v1 =	vtrunc.f32 v1  }
0x78: {  	v1 =	vcvt.f32.s32 v1;
	_ =	sdelay $0x1  }
0x79: {  	[tilespmem:v0+s30+$0x20 ss:$0x1] =	vst.idx.msk $0xffff, v1  }
0x7a: {  	v1 =	vld [tilespmem:s29+$0x30];
	_ =	sdelay $0x1  }
.Ltmp2:
0x7b: {  	(pc) =	sbr.rel @p0 .LBB2_7-.Ltmp2, $3  }
0x7c: {  	_ =	sdelay $0x1  }
0x7d: {  	v1 =	vtrunc.f32 v1  }
0x7e: {  	v1 =	vcvt.f32.s32 v1  }
0x7f: {  	s28 =	sadd.s32 $0x1, s28  }
0x80: {  	p0 =	sne.s32 s28, $0x8  }
.Ltmp3:
0x81: {  	_ = 	snop;
	(pc) =	sbr.rel @p0 .LBB2_2-.Ltmp3, $2  }
0x82: {  	_ =	sdelay $0x2  }
0x83: {  	s26 =	sadd.s32 $0xC80, s26;
	[tilespmem:v0+s30+$0x30 ss:$0x1] =	vst.idx.msk $0xffff, v1  }
0x84: {  	s0 =	stileid.u32  }
0x85: {  	s30 =	rddreg [dreg:$0xd];
	s0 =	sshll.u32 s0, $0x6  }
0x86: {  	s31 =	rddreg [dreg:$0x5];
	s28 =	sshrl.u32 s30, $0x3;
	s26 =	sor.u32 $0x1C01, s0  }
0x87: {  	[spmem:s28], [sflag:s26] =	dma.local [hbm:s31], $0x1E88  }
0x88: {  	_ =	swait.ge [sflag:s18], $0x1E88  }
0x89: {  	[sflag:s18] =	ssyncset.done $0x0  }
0x8a: {  	s29 =	simm.s32 $0x200;
	[sflag:s18] =	ssyncadd.s32 $0xFFFFE178  }
0x8b: {  	s1 =	simm.s32 $0x1900;
	s0 =	simm.s32 $0x7D00;
	[bflag:$0x0] =	sbarrier.arrive $0xFFFF  }
.LBB2_10:
0x8c: {  	[tilespmem:s0], [sflag:$0x2] =	stream.indirect.gather [spmem:s3], $0x1, s1, s19, $0xb8;
	[tilespmem:$0x1D540] =	vst v63  }
0x8d: {  	s0 =	smov.u32 s29;
	p0 =	sne.s32 s29, $0x18E00  }
.Ltmp4:
0x8e: {  	s29 =	sadd.s32 $0x200, s29;
	(pc) =	sbr.rel @p0 .LBB2_10-.Ltmp4, $3  }
0x8f: {  	_ =	sdelay $0x1  }
0x90: {  	s1 =	sshra.s32 s0, $0x2  }
0x91: {  	s0 =	sadd.s32 $0x7D00, s1;
	s1 =	sadd.s32 $0x1900, s1  }
0x92: {  	[tilespmem:s0], [sflag:$0x2] =	stream.indirect.gather [spmem:s3], $0x1, s1, s19, $0xb8;
	[tilespmem:$0x1D540] =	vst v63  }
0x93: {  	_ =	swait.ge [sflag:s20], $0x6400  }
0x94: {  	[sflag:s20] =	ssyncset.done $0x0  }
0x95: {  	[sflag:s20] =	ssyncadd.s32 $0xFFFF9C00  }
0x96: {  	[hbm4b:s22+s19] =	stream.strided.scatter [tilespmem:s23], [sflag:$0x3], $0x6400, s21, s19, $0x38;
	[tilespmem:$0x1D540] =	vst v63  }
0x97: {  	[bflag:$0x0] =	sbarrier.arrive $0xFFFF  }
0x98: {  	s31 =	rddreg [dreg:$0x6]  }
0x99: {  	[spmem:s28], [sflag:s26] =	dma.local [hbm:s31], $0x1E88  }
0x9a: {  	_ =	swait.ge [sflag:s18], $0x1E88  }
0x9b: {  	[sflag:s18] =	ssyncset.done $0x0  }
0x9c: {  	[sflag:s18] =	ssyncadd.s32 $0xFFFFE178  }
0x9d: {  	[bflag:$0x0] =	sbarrier.arrive $0xFFFF  }
0x9e: {  	_ =	swait.ge [sflag:s24], $0x6400  }
0x9f: {  	s29 =	simm.s32 $0x200;
	[sflag:s24] =	ssyncset.done $0x0  }
0xa0: {  	s0 =	simm.s32 $0x7D00;
	s1 =	simm.s32 $0x1900;
	[sflag:s24] =	ssyncadd.s32 $0xFFFF9C00  }
.LBB2_12:
0xa1: {  	[tilespmem:s0], [sflag:$0x2] =	stream.indirect.gather [spmem:s3], $0x1, s1, s19, $0xb8;
	[tilespmem:$0x1D540] =	vst v63  }
0xa2: {  	s0 =	smov.u32 s29;
	p0 =	sne.s32 s29, $0x18E00  }
.Ltmp5:
0xa3: {  	s29 =	sadd.s32 $0x200, s29;
	(pc) =	sbr.rel @p0 .LBB2_12-.Ltmp5, $3  }
0xa4: {  	_ =	sdelay $0x1  }
0xa5: {  	s1 =	sshra.s32 s0, $0x2  }
0xa6: {  	s0 =	sadd.s32 $0x7D00, s1;
	s1 =	sadd.s32 $0x1900, s1  }
0xa7: {  	[tilespmem:s0], [sflag:$0x2] =	stream.indirect.gather [spmem:s3], $0x1, s1, s19, $0xb8;
	[tilespmem:$0x1D540] =	vst v63  }
0xa8: {  	_ =	swait.ge [sflag:s20], $0x6400  }
0xa9: {  	[sflag:s20] =	ssyncset.done $0x0  }
0xaa: {  	s30 =	rddreg [dreg:$0x15];
	[sflag:s20] =	ssyncadd.s32 $0xFFFF9C00  }
0xab: {  	[hbm4b:s30+s19] =	stream.strided.scatter [tilespmem:s23], [sflag:$0x3], $0x6400, s21, s19, $0x38;
	[tilespmem:$0x1D540] =	vst v63  }
0xac: {  	[bflag:$0x0] =	sbarrier.arrive $0xFFFF  }
0xad: {  	s31 =	rddreg [dreg:$0x7]  }
0xae: {  	[spmem:s28], [sflag:s26] =	dma.local [hbm:s31], $0x1E88  }
0xaf: {  	_ =	swait.ge [sflag:s18], $0x1E88  }
0xb0: {  	[sflag:s18] =	ssyncset.done $0x0  }
0xb1: {  	[sflag:s18] =	ssyncadd.s32 $0xFFFFE178  }
0xb2: {  	[bflag:$0x0] =	sbarrier.arrive $0xFFFF  }
0xb3: {  	_ =	swait.ge [sflag:s24], $0x6400  }
0xb4: {  	s29 =	simm.s32 $0x200;
	[sflag:s24] =	ssyncset.done $0x0  }
0xb5: {  	s0 =	simm.s32 $0x7D00;
	s1 =	simm.s32 $0x1900;
	[sflag:s24] =	ssyncadd.s32 $0xFFFF9C00  }
.LBB2_14:
0xb6: {  	[tilespmem:s0], [sflag:$0x2] =	stream.indirect.gather [spmem:s3], $0x1, s1, s19, $0xb8;
	[tilespmem:$0x1D540] =	vst v63  }
0xb7: {  	s0 =	smov.u32 s29;
	p0 =	sne.s32 s29, $0x18E00  }
.Ltmp6:
0xb8: {  	s29 =	sadd.s32 $0x200, s29;
	(pc) =	sbr.rel @p0 .LBB2_14-.Ltmp6, $3  }
0xb9: {  	_ =	sdelay $0x1  }
0xba: {  	s1 =	sshra.s32 s0, $0x2  }
0xbb: {  	s0 =	sadd.s32 $0x7D00, s1;
	s1 =	sadd.s32 $0x1900, s1  }
0xbc: {  	[tilespmem:s0], [sflag:$0x2] =	stream.indirect.gather [spmem:s3], $0x1, s1, s19, $0xb8;
	[tilespmem:$0x1D540] =	vst v63  }
0xbd: {  	_ =	swait.ge [sflag:s20], $0x6400  }
0xbe: {  	[sflag:s20] =	ssyncset.done $0x0  }
0xbf: {  	s30 =	rddreg [dreg:$0x16];
	[sflag:s20] =	ssyncadd.s32 $0xFFFF9C00  }
0xc0: {  	[hbm4b:s30+s19] =	stream.strided.scatter [tilespmem:s23], [sflag:$0x3], $0x6400, s21, s19, $0x38;
	[tilespmem:$0x1D540] =	vst v63  }
0xc1: {  	[bflag:$0x0] =	sbarrier.arrive $0xFFFF  }
0xc2: {  	s31 =	rddreg [dreg:$0x8]  }
0xc3: {  	[spmem:s28], [sflag:s26] =	dma.local [hbm:s31], $0x1E88  }
0xc4: {  	_ =	swait.ge [sflag:s18], $0x1E88  }
0xc5: {  	[sflag:s18] =	ssyncset.done $0x0  }
0xc6: {  	[sflag:s18] =	ssyncadd.s32 $0xFFFFE178  }
0xc7: {  	[bflag:$0x0] =	sbarrier.arrive $0xFFFF  }
0xc8: {  	_ =	swait.ge [sflag:s24], $0x6400  }
0xc9: {  	s29 =	simm.s32 $0x200;
	[sflag:s24] =	ssyncset.done $0x0  }
0xca: {  	s0 =	simm.s32 $0x7D00;
	s1 =	simm.s32 $0x1900;
	[sflag:s24] =	ssyncadd.s32 $0xFFFF9C00  }
.LBB2_16:
0xcb: {  	[tilespmem:s0], [sflag:$0x2] =	stream.indirect.gather [spmem:s3], $0x1, s1, s19, $0xb8;
	[tilespmem:$0x1D540] =	vst v63  }
0xcc: {  	s0 =	smov.u32 s29;
	p0 =	sne.s32 s29, $0x18E00  }
.Ltmp7:
0xcd: {  	s29 =	sadd.s32 $0x200, s29;
	(pc) =	sbr.rel @p0 .LBB2_16-.Ltmp7, $3  }
0xce: {  	_ =	sdelay $0x1  }
0xcf: {  	s1 =	sshra.s32 s0, $0x2  }
0xd0: {  	s0 =	sadd.s32 $0x7D00, s1;
	s1 =	sadd.s32 $0x1900, s1  }
0xd1: {  	[tilespmem:s0], [sflag:$0x2] =	stream.indirect.gather [spmem:s3], $0x1, s1, s19, $0xb8;
	[tilespmem:$0x1D540] =	vst v63  }
0xd2: {  	_ =	swait.ge [sflag:s20], $0x6400  }
0xd3: {  	[sflag:s20] =	ssyncset.done $0x0  }
0xd4: {  	s30 =	rddreg [dreg:$0x17];
	[sflag:s20] =	ssyncadd.s32 $0xFFFF9C00  }
0xd5: {  	[hbm4b:s30+s19] =	stream.strided.scatter [tilespmem:s23], [sflag:$0x3], $0x6400, s21, s19, $0x38;
	[tilespmem:$0x1D540] =	vst v63  }
0xd6: {  	[bflag:$0x0] =	sbarrier.arrive $0xFFFF  }
0xd7: {  	s31 =	rddreg [dreg:$0x9]  }
0xd8: {  	[spmem:s28], [sflag:s26] =	dma.local [hbm:s31], $0x1E88  }
0xd9: {  	_ =	swait.ge [sflag:s18], $0x1E88  }
0xda: {  	[sflag:s18] =	ssyncset.done $0x0  }
0xdb: {  	[sflag:s18] =	ssyncadd.s32 $0xFFFFE178  }
0xdc: {  	[bflag:$0x0] =	sbarrier.arrive $0xFFFF  }
0xdd: {  	_ =	swait.ge [sflag:s24], $0x6400  }
0xde: {  	s29 =	simm.s32 $0x200;
	[sflag:s24] =	ssyncset.done $0x0  }
0xdf: {  	s0 =	simm.s32 $0x7D00;
	s1 =	simm.s32 $0x1900;
	[sflag:s24] =	ssyncadd.s32 $0xFFFF9C00  }
.LBB2_18:
0xe0: {  	[tilespmem:s0], [sflag:$0x2] =	stream.indirect.gather [spmem:s3], $0x1, s1, s19, $0xb8;
	[tilespmem:$0x1D540] =	vst v63  }
0xe1: {  	s0 =	smov.u32 s29;
	p0 =	sne.s32 s29, $0x18E00  }
.Ltmp8:
0xe2: {  	s29 =	sadd.s32 $0x200, s29;
	(pc) =	sbr.rel @p0 .LBB2_18-.Ltmp8, $3  }
0xe3: {  	_ =	sdelay $0x1  }
0xe4: {  	s1 =	sshra.s32 s0, $0x2  }
0xe5: {  	s0 =	sadd.s32 $0x7D00, s1;
	s1 =	sadd.s32 $0x1900, s1  }
0xe6: {  	[tilespmem:s0], [sflag:$0x2] =	stream.indirect.gather [spmem:s3], $0x1, s1, s19, $0xb8;
	[tilespmem:$0x1D540] =	vst v63  }
0xe7: {  	_ =	swait.ge [sflag:s20], $0x6400  }
0xe8: {  	[sflag:s20] =	ssyncset.done $0x0  }
0xe9: {  	s30 =	rddreg [dreg:$0x18];
	[sflag:s20] =	ssyncadd.s32 $0xFFFF9C00  }
0xea: {  	[hbm4b:s30+s19] =	stream.strided.scatter [tilespmem:s23], [sflag:$0x3], $0x6400, s21, s19, $0x38;
	[tilespmem:$0x1D540] =	vst v63  }
0xeb: {  	[bflag:$0x0] =	sbarrier.arrive $0xFFFF  }
0xec: {  	s31 =	rddreg [dreg:$0xa]  }
0xed: {  	[spmem:s28], [sflag:s26] =	dma.local [hbm:s31], $0x1E88  }
0xee: {  	_ =	swait.ge [sflag:s18], $0x1E88  }
0xef: {  	[sflag:s18] =	ssyncset.done $0x0  }
0xf0: {  	[sflag:s18] =	ssyncadd.s32 $0xFFFFE178  }
0xf1: {  	[bflag:$0x0] =	sbarrier.arrive $0xFFFF  }
0xf2: {  	_ =	swait.ge [sflag:s24], $0x6400  }
0xf3: {  	s29 =	simm.s32 $0x200;
	[sflag:s24] =	ssyncset.done $0x0  }
0xf4: {  	s0 =	simm.s32 $0x7D00;
	s1 =	simm.s32 $0x1900;
	[sflag:s24] =	ssyncadd.s32 $0xFFFF9C00  }
.LBB2_20:
0xf5: {  	[tilespmem:s0], [sflag:$0x2] =	stream.indirect.gather [spmem:s3], $0x1, s1, s19, $0xb8;
	[tilespmem:$0x1D540] =	vst v63  }
0xf6: {  	s0 =	smov.u32 s29;
	p0 =	sne.s32 s29, $0x18E00  }
.Ltmp9:
0xf7: {  	s29 =	sadd.s32 $0x200, s29;
	(pc) =	sbr.rel @p0 .LBB2_20-.Ltmp9, $3  }
0xf8: {  	_ =	sdelay $0x1  }
0xf9: {  	s1 =	sshra.s32 s0, $0x2  }
0xfa: {  	s0 =	sadd.s32 $0x7D00, s1;
	s1 =	sadd.s32 $0x1900, s1  }
0xfb: {  	[tilespmem:s0], [sflag:$0x2] =	stream.indirect.gather [spmem:s3], $0x1, s1, s19, $0xb8;
	[tilespmem:$0x1D540] =	vst v63  }
0xfc: {  	_ =	swait.ge [sflag:s20], $0x6400  }
0xfd: {  	[sflag:s20] =	ssyncset.done $0x0  }
0xfe: {  	s30 =	rddreg [dreg:$0x19];
	[sflag:s20] =	ssyncadd.s32 $0xFFFF9C00  }
0xff: {  	[hbm4b:s30+s19] =	stream.strided.scatter [tilespmem:s23], [sflag:$0x3], $0x6400, s21, s19, $0x38;
	[tilespmem:$0x1D540] =	vst v63  }
0x100: {  	[bflag:$0x0] =	sbarrier.arrive $0xFFFF  }
0x101: {  	s31 =	rddreg [dreg:$0xb]  }
0x102: {  	[spmem:s28], [sflag:s26] =	dma.local [hbm:s31], $0x1E88  }
0x103: {  	_ =	swait.ge [sflag:s18], $0x1E88  }
0x104: {  	[sflag:s18] =	ssyncset.done $0x0  }
0x105: {  	[sflag:s18] =	ssyncadd.s32 $0xFFFFE178  }
0x106: {  	[bflag:$0x0] =	sbarrier.arrive $0xFFFF  }
0x107: {  	_ =	swait.ge [sflag:s24], $0x6400  }
0x108: {  	s29 =	simm.s32 $0x200;
	[sflag:s24] =	ssyncset.done $0x0  }
0x109: {  	s0 =	simm.s32 $0x7D00;
	s1 =	simm.s32 $0x1900;
	[sflag:s24] =	ssyncadd.s32 $0xFFFF9C00  }
.LBB2_22:
0x10a: {  	[tilespmem:s0], [sflag:$0x2] =	stream.indirect.gather [spmem:s3], $0x1, s1, s19, $0xb8;
	[tilespmem:$0x1D540] =	vst v63  }
0x10b: {  	s0 =	smov.u32 s29;
	p0 =	sne.s32 s29, $0x18E00  }
.Ltmp10:
0x10c: {  	s29 =	sadd.s32 $0x200, s29;
	(pc) =	sbr.rel @p0 .LBB2_22-.Ltmp10, $3  }
0x10d: {  	_ =	sdelay $0x1  }
0x10e: {  	s1 =	sshra.s32 s0, $0x2  }
0x10f: {  	s0 =	sadd.s32 $0x7D00, s1;
	s1 =	sadd.s32 $0x1900, s1  }
0x110: {  	[tilespmem:s0], [sflag:$0x2] =	stream.indirect.gather [spmem:s3], $0x1, s1, s19, $0xb8;
	[tilespmem:$0x1D540] =	vst v63  }
0x111: {  	_ =	swait.ge [sflag:s20], $0x6400  }
0x112: {  	[sflag:s20] =	ssyncset.done $0x0  }
0x113: {  	s30 =	rddreg [dreg:$0x1a];
	[sflag:s20] =	ssyncadd.s32 $0xFFFF9C00  }
0x114: {  	[hbm4b:s30+s19] =	stream.strided.scatter [tilespmem:s23], [sflag:$0x3], $0x6400, s21, s19, $0x38;
	[tilespmem:$0x1D540] =	vst v63  }
0x115: {  	[bflag:$0x0] =	sbarrier.arrive $0xFFFF  }
0x116: {  	s31 =	rddreg [dreg:$0xc]  }
0x117: {  	[spmem:s28], [sflag:s26] =	dma.local [hbm:s31], $0x1E88  }
0x118: {  	_ =	swait.ge [sflag:s18], $0x1E88  }
0x119: {  	[sflag:s18] =	ssyncset.done $0x0  }
0x11a: {  	[sflag:s18] =	ssyncadd.s32 $0xFFFFE178  }
0x11b: {  	[bflag:$0x0] =	sbarrier.arrive $0xFFFF  }
0x11c: {  	_ =	swait.ge [sflag:s24], $0x6400  }
0x11d: {  	s29 =	simm.s32 $0x200;
	[sflag:s24] =	ssyncset.done $0x0  }
0x11e: {  	s0 =	simm.s32 $0x7D00;
	s1 =	simm.s32 $0x1900;
	[sflag:s24] =	ssyncadd.s32 $0xFFFF9C00  }
.LBB2_24:
0x11f: {  	[tilespmem:s0], [sflag:$0x2] =	stream.indirect.gather [spmem:s3], $0x1, s1, s19, $0xb8;
	[tilespmem:$0x1D540] =	vst v63  }
0x120: {  	s0 =	smov.u32 s29;
	p0 =	sne.s32 s29, $0x18E00  }
.Ltmp11:
0x121: {  	s29 =	sadd.s32 $0x200, s29;
	(pc) =	sbr.rel @p0 .LBB2_24-.Ltmp11, $3  }
0x122: {  	_ =	sdelay $0x1  }
0x123: {  	s1 =	sshra.s32 s0, $0x2  }
0x124: {  	s0 =	sadd.s32 $0x7D00, s1;
	s1 =	sadd.s32 $0x1900, s1  }
0x125: {  	[tilespmem:s0], [sflag:$0x2] =	stream.indirect.gather [spmem:s3], $0x1, s1, s19, $0xb8;
	[tilespmem:$0x1D540] =	vst v63  }
0x126: {  	_ =	swait.ge [sflag:s20], $0x6400  }
0x127: {  	[sflag:s20] =	ssyncset.done $0x0  }
0x128: {  	s30 =	rddreg [dreg:$0x1b];
	[sflag:s20] =	ssyncadd.s32 $0xFFFF9C00  }
0x129: {  	[hbm4b:s30+s19] =	stream.strided.scatter [tilespmem:s23], [sflag:$0x3], $0x6400, s21, s19, $0x38;
	[tilespmem:$0x1D540] =	vst v63  }
0x12a: {  	[bflag:$0x0] =	sbarrier.arrive $0xFFFF  }
0x12b: {  	s31 =	rddreg [dreg:$0xe]  }
0x12c: {  	[spmem:s28], [sflag:s26] =	dma.local [hbm:s31], $0x1E88  }
0x12d: {  	_ =	swait.ge [sflag:s18], $0x1E88  }
0x12e: {  	[sflag:s18] =	ssyncset.done $0x0  }
0x12f: {  	[sflag:s18] =	ssyncadd.s32 $0xFFFFE178  }
0x130: {  	[bflag:$0x0] =	sbarrier.arrive $0xFFFF  }
0x131: {  	_ =	swait.ge [sflag:s24], $0x6400  }
0x132: {  	s29 =	simm.s32 $0x200;
	[sflag:s24] =	ssyncset.done $0x0  }
0x133: {  	s0 =	simm.s32 $0x7D00;
	s1 =	simm.s32 $0x1900;
	[sflag:s24] =	ssyncadd.s32 $0xFFFF9C00  }
.LBB2_26:
0x134: {  	[tilespmem:s0], [sflag:$0x2] =	stream.indirect.gather [spmem:s3], $0x1, s1, s19, $0xb8;
	[tilespmem:$0x1D540] =	vst v63  }
0x135: {  	s0 =	smov.u32 s29;
	p0 =	sne.s32 s29, $0x18E00  }
.Ltmp12:
0x136: {  	s29 =	sadd.s32 $0x200, s29;
	(pc) =	sbr.rel @p0 .LBB2_26-.Ltmp12, $3  }
0x137: {  	_ =	sdelay $0x1  }
0x138: {  	s1 =	sshra.s32 s0, $0x2  }
0x139: {  	s0 =	sadd.s32 $0x7D00, s1;
	s1 =	sadd.s32 $0x1900, s1  }
0x13a: {  	[tilespmem:s0], [sflag:$0x2] =	stream.indirect.gather [spmem:s3], $0x1, s1, s19, $0xb8;
	[tilespmem:$0x1D540] =	vst v63  }
0x13b: {  	_ =	swait.ge [sflag:s20], $0x6400  }
0x13c: {  	[sflag:s20] =	ssyncset.done $0x0  }
0x13d: {  	[sflag:s20] =	ssyncadd.s32 $0xFFFF9C00  }
0x13e: {  	[hbm4b:s8+s19] =	stream.strided.scatter [tilespmem:s23], [sflag:$0x3], $0x6400, s21, s19, $0x38;
	[tilespmem:$0x1D540] =	vst v63  }
0x13f: {  	[bflag:$0x0] =	sbarrier.arrive $0xFFFF  }
0x140: {  	s31 =	rddreg [dreg:$0xf]  }
0x141: {  	[spmem:s28], [sflag:s26] =	dma.local [hbm:s31], $0x1E88  }
0x142: {  	_ =	swait.ge [sflag:s18], $0x1E88  }
0x143: {  	[sflag:s18] =	ssyncset.done $0x0  }
0x144: {  	[sflag:s18] =	ssyncadd.s32 $0xFFFFE178  }
0x145: {  	[bflag:$0x0] =	sbarrier.arrive $0xFFFF  }
0x146: {  	_ =	swait.ge [sflag:s24], $0x6400  }
0x147: {  	s29 =	simm.s32 $0x200;
	[sflag:s24] =	ssyncset.done $0x0  }
0x148: {  	s0 =	simm.s32 $0x7D00;
	s1 =	simm.s32 $0x1900;
	[sflag:s24] =	ssyncadd.s32 $0xFFFF9C00  }
.LBB2_28:
0x149: {  	[tilespmem:s0], [sflag:$0x2] =	stream.indirect.gather [spmem:s3], $0x1, s1, s19, $0xb8;
	[tilespmem:$0x1D540] =	vst v63  }
0x14a: {  	s0 =	smov.u32 s29;
	p0 =	sne.s32 s29, $0x18E00  }
.Ltmp13:
0x14b: {  	s29 =	sadd.s32 $0x200, s29;
	(pc) =	sbr.rel @p0 .LBB2_28-.Ltmp13, $3  }
0x14c: {  	_ =	sdelay $0x1  }
0x14d: {  	s1 =	sshra.s32 s0, $0x2  }
0x14e: {  	s0 =	sadd.s32 $0x7D00, s1;
	s1 =	sadd.s32 $0x1900, s1  }
0x14f: {  	[tilespmem:s0], [sflag:$0x2] =	stream.indirect.gather [spmem:s3], $0x1, s1, s19, $0xb8;
	[tilespmem:$0x1D540] =	vst v63  }
0x150: {  	_ =	swait.ge [sflag:s20], $0x6400  }
0x151: {  	[sflag:s20] =	ssyncset.done $0x0  }
0x152: {  	[sflag:s20] =	ssyncadd.s32 $0xFFFF9C00  }
0x153: {  	[hbm4b:s9+s19] =	stream.strided.scatter [tilespmem:s23], [sflag:$0x3], $0x6400, s21, s19, $0x38;
	[tilespmem:$0x1D540] =	vst v63  }
0x154: {  	[bflag:$0x0] =	sbarrier.arrive $0xFFFF  }
0x155: {  	s31 =	rddreg [dreg:$0x10]  }
0x156: {  	[spmem:s28], [sflag:s26] =	dma.local [hbm:s31], $0x1E88  }
0x157: {  	_ =	swait.ge [sflag:s18], $0x1E88  }
0x158: {  	[sflag:s18] =	ssyncset.done $0x0  }
0x159: {  	[sflag:s18] =	ssyncadd.s32 $0xFFFFE178  }
0x15a: {  	[bflag:$0x0] =	sbarrier.arrive $0xFFFF  }
0x15b: {  	_ =	swait.ge [sflag:s24], $0x6400  }
0x15c: {  	s29 =	simm.s32 $0x200;
	[sflag:s24] =	ssyncset.done $0x0  }
0x15d: {  	s0 =	simm.s32 $0x7D00;
	s1 =	simm.s32 $0x1900;
	[sflag:s24] =	ssyncadd.s32 $0xFFFF9C00  }
.LBB2_30:
0x15e: {  	[tilespmem:s0], [sflag:$0x2] =	stream.indirect.gather [spmem:s3], $0x1, s1, s19, $0xb8;
	[tilespmem:$0x1D540] =	vst v63  }
0x15f: {  	s0 =	smov.u32 s29;
	p0 =	sne.s32 s29, $0x18E00  }
.Ltmp14:
0x160: {  	s29 =	sadd.s32 $0x200, s29;
	(pc) =	sbr.rel @p0 .LBB2_30-.Ltmp14, $3  }
0x161: {  	_ =	sdelay $0x1  }
0x162: {  	s1 =	sshra.s32 s0, $0x2  }
0x163: {  	s0 =	sadd.s32 $0x7D00, s1;
	s1 =	sadd.s32 $0x1900, s1  }
0x164: {  	[tilespmem:s0], [sflag:$0x2] =	stream.indirect.gather [spmem:s3], $0x1, s1, s19, $0xb8;
	[tilespmem:$0x1D540] =	vst v63  }
0x165: {  	_ =	swait.ge [sflag:s20], $0x6400  }
0x166: {  	[sflag:s20] =	ssyncset.done $0x0  }
0x167: {  	[sflag:s20] =	ssyncadd.s32 $0xFFFF9C00  }
0x168: {  	[hbm4b:s10+s19] =	stream.strided.scatter [tilespmem:s23], [sflag:$0x3], $0x6400, s21, s19, $0x38;
	[tilespmem:$0x1D540] =	vst v63  }
0x169: {  	[bflag:$0x0] =	sbarrier.arrive $0xFFFF  }
0x16a: {  	s31 =	rddreg [dreg:$0x11]  }
0x16b: {  	[spmem:s28], [sflag:s26] =	dma.local [hbm:s31], $0x1E88  }
0x16c: {  	_ =	swait.ge [sflag:s18], $0x1E88  }
0x16d: {  	[sflag:s18] =	ssyncset.done $0x0  }
0x16e: {  	[sflag:s18] =	ssyncadd.s32 $0xFFFFE178  }
0x16f: {  	[bflag:$0x0] =	sbarrier.arrive $0xFFFF  }
0x170: {  	_ =	swait.ge [sflag:s24], $0x6400  }
0x171: {  	s29 =	simm.s32 $0x200;
	[sflag:s24] =	ssyncset.done $0x0  }
0x172: {  	s0 =	simm.s32 $0x7D00;
	s1 =	simm.s32 $0x1900;
	[sflag:s24] =	ssyncadd.s32 $0xFFFF9C00  }
.LBB2_32:
0x173: {  	[tilespmem:s0], [sflag:$0x2] =	stream.indirect.gather [spmem:s3], $0x1, s1, s19, $0xb8;
	[tilespmem:$0x1D540] =	vst v63  }
0x174: {  	s0 =	smov.u32 s29;
	p0 =	sne.s32 s29, $0x18E00  }
.Ltmp15:
0x175: {  	s29 =	sadd.s32 $0x200, s29;
	(pc) =	sbr.rel @p0 .LBB2_32-.Ltmp15, $3  }
0x176: {  	_ =	sdelay $0x1  }
0x177: {  	s1 =	sshra.s32 s0, $0x2  }
0x178: {  	s0 =	sadd.s32 $0x7D00, s1;
	s1 =	sadd.s32 $0x1900, s1  }
0x179: {  	[tilespmem:s0], [sflag:$0x2] =	stream.indirect.gather [spmem:s3], $0x1, s1, s19, $0xb8;
	[tilespmem:$0x1D540] =	vst v63  }
0x17a: {  	_ =	swait.ge [sflag:s20], $0x6400  }
0x17b: {  	[sflag:s20] =	ssyncset.done $0x0  }
0x17c: {  	[sflag:s20] =	ssyncadd.s32 $0xFFFF9C00  }
0x17d: {  	[hbm4b:s11+s19] =	stream.strided.scatter [tilespmem:s23], [sflag:$0x3], $0x6400, s21, s19, $0x38;
	[tilespmem:$0x1D540] =	vst v63  }
0x17e: {  	[bflag:$0x0] =	sbarrier.arrive $0xFFFF  }
0x17f: {  	s31 =	rddreg [dreg:$0x12]  }
0x180: {  	[spmem:s28], [sflag:s26] =	dma.local [hbm:s31], $0x1E88  }
0x181: {  	_ =	swait.ge [sflag:s18], $0x1E88  }
0x182: {  	[sflag:s18] =	ssyncset.done $0x0  }
0x183: {  	[sflag:s18] =	ssyncadd.s32 $0xFFFFE178  }
0x184: {  	[bflag:$0x0] =	sbarrier.arrive $0xFFFF  }
0x185: {  	_ =	swait.ge [sflag:s24], $0x6400  }
0x186: {  	s29 =	simm.s32 $0x200;
	[sflag:s24] =	ssyncset.done $0x0  }
0x187: {  	s0 =	simm.s32 $0x7D00;
	s1 =	simm.s32 $0x1900;
	[sflag:s24] =	ssyncadd.s32 $0xFFFF9C00  }
.LBB2_34:
0x188: {  	[tilespmem:s0], [sflag:$0x2] =	stream.indirect.gather [spmem:s3], $0x1, s1, s19, $0xb8;
	[tilespmem:$0x1D540] =	vst v63  }
0x189: {  	s0 =	smov.u32 s29;
	p0 =	sne.s32 s29, $0x18E00  }
.Ltmp16:
0x18a: {  	s29 =	sadd.s32 $0x200, s29;
	(pc) =	sbr.rel @p0 .LBB2_34-.Ltmp16, $3  }
0x18b: {  	_ =	sdelay $0x1  }
0x18c: {  	s1 =	sshra.s32 s0, $0x2  }
0x18d: {  	s0 =	sadd.s32 $0x7D00, s1;
	s1 =	sadd.s32 $0x1900, s1  }
0x18e: {  	[tilespmem:s0], [sflag:$0x2] =	stream.indirect.gather [spmem:s3], $0x1, s1, s19, $0xb8;
	[tilespmem:$0x1D540] =	vst v63  }
0x18f: {  	_ =	swait.ge [sflag:s20], $0x6400  }
0x190: {  	[sflag:s20] =	ssyncset.done $0x0  }
0x191: {  	[sflag:s20] =	ssyncadd.s32 $0xFFFF9C00  }
0x192: {  	[hbm4b:s12+s19] =	stream.strided.scatter [tilespmem:s23], [sflag:$0x3], $0x6400, s21, s19, $0x38;
	[tilespmem:$0x1D540] =	vst v63  }
0x193: {  	[bflag:$0x0] =	sbarrier.arrive $0xFFFF  }
0x194: {  	s31 =	rddreg [dreg:$0x13]  }
0x195: {  	[spmem:s28], [sflag:s26] =	dma.local [hbm:s31], $0x1E88  }
0x196: {  	_ =	swait.ge [sflag:s18], $0x1E88  }
0x197: {  	[sflag:s18] =	ssyncset.done $0x0  }
0x198: {  	[sflag:s18] =	ssyncadd.s32 $0xFFFFE178  }
0x199: {  	[bflag:$0x0] =	sbarrier.arrive $0xFFFF  }
0x19a: {  	_ =	swait.ge [sflag:s24], $0x6400  }
0x19b: {  	s0 =	simm.s32 $0x7D00;
	[sflag:s24] =	ssyncset.done $0x0  }
0x19c: {  	s1 =	simm.s32 $0x1900;
	s26 =	simm.s32 $0x200;
	[sflag:s24] =	ssyncadd.s32 $0xFFFF9C00  }
.LBB2_36:
0x19d: {  	[tilespmem:s0], [sflag:$0x2] =	stream.indirect.gather [spmem:s3], $0x1, s1, s19, $0xb8;
	[tilespmem:$0x1D540] =	vst v63  }
0x19e: {  	s0 =	smov.u32 s26;
	p0 =	sne.s32 s26, $0x18E00  }
.Ltmp17:
0x19f: {  	s26 =	sadd.s32 $0x200, s26;
	(pc) =	sbr.rel @p0 .LBB2_36-.Ltmp17, $3  }
0x1a0: {  	_ =	sdelay $0x1  }
0x1a1: {  	s1 =	sshra.s32 s0, $0x2  }
0x1a2: {  	s0 =	sadd.s32 $0x7D00, s1;
	s1 =	sadd.s32 $0x1900, s1  }
0x1a3: {  	[tilespmem:s0], [sflag:$0x2] =	stream.indirect.gather [spmem:s3], $0x1, s1, s19, $0xb8;
	[tilespmem:$0x1D540] =	vst v63  }
0x1a4: {  	_ =	swait.ge [sflag:s20], $0x6400  }
0x1a5: {  	[sflag:s20] =	ssyncset.done $0x0  }
0x1a6: {  	[sflag:s20] =	ssyncadd.s32 $0xFFFF9C00  }
0x1a7: {  	[hbm4b:s13+s19] =	stream.strided.scatter [tilespmem:s23], [sflag:$0x3], $0x6400, s21, s19, $0x38;
	[tilespmem:$0x1D540] =	vst v63  }
0x1a8: {  	[bflag:$0x0] =	sbarrier.arrive $0xFFFF  }
0x1a9: {  	_ =	swait.ge [sflag:s24], $0x6400  }
0x1aa: {  	s25 =	sadd.s32 $0x1, s25;
	s31 =	rddreg [dreg:$0x14]  }
0x1ab: {  	p0 =	sne.s32 s25, s31  }
.Ltmp18:
0x1ac: {  	_ = 	snop;
	(pc) =	sbr.rel @p0 .LBB2_1-.Ltmp18, $3  }
0x1ad: {  	_ =	sdelay $0x1  }
0x1ae: {  	[sflag:s24] =	ssyncset.done $0x0  }
0x1af: {  	[sflag:s24] =	ssyncadd.s32 $0xFFFF9C00  }
0x1b0: {  	_ =	sfence.sel $0x180000  }
0x1b1: {  	[bflag:$0x0] =	sbarrier.arrive $0xFFFF  }
0x1b2: {  	_ =	strace $0x9000004A  }
0x1b3: {  	s0 =	stileid.u32;
	[bflag:$0x2] =	sbarrier.arrive $0xFFFF  }
0x1b4: {  	p0 =	sne.s32 s0, $0x0;
	s0 =	rddreg [dreg:$0x4]  }
0x1b5: {  	s0 =	sadd.s32 @!p0 $0x100000, s0  }
0x1b6: {  	[sflag:s0] =	ssyncadd.tile.s32 @!p0 $0x1;
	_ =	shalt  }
.Lfunc_end2:
_tile_overlayer_lowered:
.L_overlay_start_2:
0x1b7: {  	(tag) =	ssettag $0x2  }
0x1b8: {  	s0 =	rddreg [dreg:$0x0];
	s2 =	stileid.u32  }
0x1b9: {  	s1 =	rddreg [dreg:$0x1];
	p0 =	sne.s32 s2, $0x0  }
0x1ba: {  	s3 =	rddreg [dreg:$0x2];
	[bflag:$0x3] =	sbarrier.arrive $0xFFFF;
	s2 =	simm.s32 @!p0 $0x1C04  }
0x1bb: {  	[timem:s3], [sflag:s2] =	dma.local @!p0 [hbm:s0], s1  }
0x1bc: {  	s0 =	simm.s32 @!p0 $0x4  }
0x1bd: {  	_ =	swait.ge @!p0 [sflag:s0], s1  }
0x1be: {  	s1 =	ssub.s32 @!p0 $0x0, s1;
	[sflag:s0] =	ssyncset.done @!p0 $0x0  }
0x1bf: {  	[sflag:s0] =	ssyncadd.s32 @!p0 s1  }
0x1c0: {  	[bflag:$0x3] =	sbarrier.arrive $0xFFFF  }
0x1c1: {  	_ =	shalt  }

// kernel: sparse-core-data-format-call.cloned.1.call-start
scs
called_computation_lowered:
.L_overlay_start_0:
0x0: {  	s1 =	sld [smem:$0x3FD9]  }
0x1: {  	s2 =	sld [smem:$0x3FFE];
	_ =	sdelay $0x1  }
0x2: {  	s3 =	srdreg.scid  }
0x3: {  	s0 =	sand.u32 $0x1, s3  }
0x4: {  	s17 =	sshll.u32 s0, $0xA;
	s1 =	sadd.s32 s2, s1  }
0x5: {  	s1 =	sadd.s32 s1, s17  }
0x6: {  	[smem:$0x3FC6] =	sst s1  }
0x7: {  	_ = 	snop  }
0x8: {  	(tm) =	ssettm $0x1  }
0x9: {  	s18 =	sld [smem:$0x3FFB];
	_ =	sdelay $0x3  }
0xa: {  	_ =	strace s18  }
0xb: {  	s1 =	sld [smem:$0x3FFC];
	_ =	sdelay $0x3  }
0xc: {  	_ =	strace s1  }
0xd: {  	s1 =	sld [smem:$0x3FFD];
	_ =	sdelay $0x3  }
0xe: {  	_ =	strace s1  }
0xf: {  	_ =	strace $0x8FFFFFFF  }
0x10: {  	s19 =	sld [smem:$0x3FDB];
	_ =	sdelay $0x1  }
0x11: {  	s20 =	simm.s32 $_scs_section_size  }
0x12: {  	s4 =	simm.s32 $_size__tile_overlayer_lowered;
	s5 =	simm.s32 $_tile_overlayer_lowered  }
0x13: {  	s23 =	simm.s32 $0x1BFF;
	s22 =	sshll.u32 s5, $0x1;
	s1 =	sadd.s32 s20, s19  }
0x14: {  	s6 =	simm.s32 $0x0;
	s21 =	sshll.u32 s4, $0x1;
	s4 =	sadd.s32 s22, s1  }
0x15: {  	[timem:s6], [sflag:s23] =	dma.local [hbm:s4], s21  }
0x16: {  	_ =	swait.ge [sflag:s23], s21  }
0x17: {  	s2 =	ssub.s32 $0x0, s21;
	[sflag:s23] =	ssyncset.done $0x0  }
0x18: {  	[sflag:s23] =	ssyncadd.s32 s2;
	_ =	sdelay $0x1  }
0x19: {  	s24 =	simm.s32 $0x1B8B  }
0x1a: {  	_ =	swait.ge [sflag:s24], $0x1  }
0x1b: {  	[sflag:s24] =	ssyncset.done $0x0  }
0x1c: {  	s26 =	simm.s32 $0x1B8E;
	s25 =	sld [smem:$0x3FFE];
	[sflag:s24] =	ssyncadd.s32 $0xFFFFFFFF  }
0x1d: {  	s27 =	simm.s32 $execute0_lowered;
	[smem:$0x3FD2] =	sst s26  }
0x1e: {  	s4 =	sshll.u32 s27, $0x1;
	_ =	strace $0x80000046;
	[dreg:$0x1] =	wrdreg $0xFFFFFFFF  }
0x1f: {  	s28 =	simm.s32 $_size_execute0_lowered;
	s1 =	sadd.s32 s1, s4;
	[dreg:$0x0] =	wrdreg $0x0  }
0x20: {  	s4 =	sshll.u32 s28, $0x1;
	[dreg:$0x2] =	wrdreg s1  }
0x21: {  	[dreg:$0x3] =	wrdreg s4  }
0x22: {  	[dreg:$0x4] =	wrdreg $0xC0  }
0x23: {  	_ =	task [dreg:s6], $0x5FFFF  }
0x24: {  	[dreg:$0x1] =	wrdreg $0xFFFFFFFF  }
0x25: {  	[dreg:$0x0] =	wrdreg $0x60  }
0x26: {  	[dreg:$0x2] =	wrdreg s25  }
0x27: {  	[dreg:$0x3] =	wrdreg $0x9  }
0x28: {  	_ =	task.clear_ibuf [dreg:s6], $0x4FFFF;
	_ =	strace $0x90000046  }
0x29: {  	s29 =	simm.s32 $0x9;
	_ =	strace $0x80000048  }
0x2a: {  	_ =	swait.ge [sflag:s29], $0x1  }
0x2b: {  	[sflag:s29] =	ssyncadd.s32 $0xFFFFFFFF  }
0x2c: {  	_ =	strace $0x90000048  }
0x2d: {  	_ =	sfence  }
0x2e: {  	s30 =	sld [smem:$0x0];
	_ =	sdelay $0x2  }
0x2f: {  	s31 =	sshll.u32 s3, $0xD;
	s3 =	sshrl.u32 s3, $0x2  }
0x30: {  	s2 =	sand.u32 $0x4000, s31;
	s1 =	sadd.s32 s3, s30  }
0x31: {  	s0 =	sor.u32 s2, s0;
	s1 =	sshll.u32 s1, $0x11  }
0x32: {  	s0 =	sor.u32 s1, s0  }
0x33: {  	s0 =	sadd.s32 $0x8F2B, s0  }
0x34: {  	[sflag:s0] =	ssyncadd.remote.s32 $0x1  }
0x35: {  	_ =	sfence.sel $0xFFFF  }
0x36: {  	[dreg:$0x0] =	wrdreg $0xFFFFFFFF;
	(pc) =	sbr.abs _section_cstart, $3  }
0x37: {  	[dreg:$0x1] =	wrdreg $0xFFFFFFFF  }
0x38: {  	_ =	task.clear_ibuf [dreg:s6], $0x2FFFF;
	_ =	strace $0x9FFFFFFF  }
0x39: {  	(tm) =	ssettm $0x7FFFFFFF  }
tec
execute0_lowered:
.L_overlay_start_1:
0x0: {  	(tag) =	ssettag $0x1  }
0x1: {  	s0 =	srdreg.scid;
	s4 =	rddreg [dreg:$0x0]  }
0x2: {  	s7 =	simm.s32 $0x1;
	s8 =	simm.s32 $0x2;
	s1 =	sshll.u32 s0, $0x4  }
0x3: {  	s14 =	simm.s32 $0x0;
	s0 =	stileid.u32;
	s1 =	sand.u32 $0x10, s1  }
0x4: {  	s9 =	simm.s32 $0xF4400;
	s10 =	simm.s32 $0x0;
	s1 =	sor.u32 s0, s1  }
0x5: {  	s15 =	simm.s32 $0x0;
	s12 =	simm.s32 $0x0;
	s2 =	sshll.u32 s1, $0x3  }
0x6: {  	s13 =	simm.s32 $0x0;
	s3 =	sadd.s32 $0x800, s4;
	s6 =	ssub.s32 $0x1E88, s2  }
.Ltmp0:
0x7: {  	s4 =	sadd.s32 $0x1E9000, s4;
	s5 =	sand.u32 $0xF8, s6;
	(pc) =	sbr.rel .LBB1_1-.Ltmp0, $4  }
0x8: {  	s1 =	rddreg [dreg:$0x1];
	_ =	strace $0x80000047;
	p0 =	sne.s32 s5, $0x0  }
0x9: {  	s6 =	sshrl.u32 s6, $0x8;
	s5 =	simm.s32 $0x1;
	s7 =	simm.s32 @!p0 $0x0  }
0xa: {  	s11 =	smov.u32 s2;
	[sflag:s5] =	ssyncpa.u1 $0x0;
	s6 =	sadd.s32 s7, s6  }
0xb: {  	[sflag:s8] =	ssyncpa.u1 $0x0;
	s8 =	simm.s32 $0x400;
	s7 =	sadd.s32 $0x1, s6  }
.LBB1_9:
0xc: {  	s16 =	sadd.s32 $0x100, s11  }
0xd: {  	s14 =	sadd.s32 $0x2, s12;
	s18 =	smov.u32 s12;
	p1 =	sgt.s32 s16, $0x1E87  }
0xe: {  	s18 =	smov.u32 @p1 s14  }
0xf: {  	s16 =	smov.u32 @p1 s2;
	p1 =	sgt.s32 s18, $0x1  }
0x10: {  	s18 =	simm.s32 @p1 $0x0;
	p1 =	sne.s32 s13, s7  }
.Ltmp1:
0x11: {  	p0 =	slt.u32 s13, $0x2;
	(pc) =	sbr.rel @!p1 .LBB1_10-.Ltmp1, $4  }
0x12: {  	s17 =	simm.s32 @!p0 $0x2  }
0x13: {  	s15 =	smov.u32 s12;
	s10 =	sadd.s32 $0x4000, s10;
	_ =	swait.ge @!p0 [sflag:s17], $0x4000  }
0x14: {  	s14 =	smov.u32 s11;
	[sflag:s17] =	ssyncset.done @!p0 $0x0;
	s11 =	smov.u32 s16  }
0x15: {  	s13 =	sadd.s32 $0x1, s13;
	[sflag:s17] =	ssyncadd.s32 @!p0 $0xFFFFC000;
	s12 =	smov.u32 s18  }
.LBB1_1:
0x16: {  	p0 =	sge.u32 s13, s6  }
0x17: {  	s17 =	smul.u32 @!p0 $0xF4400, s12  }
0x18: {  	s31 =	sadd.s32 $0xFFFFFFFF, s13;
	s16 =	sxor.u32 @!p0 $0xFFFFFFFF, s13;
	s18 =	sshll.u32 @!p0 s11, $0x7  }
0x19: {  	s19 =	simm.s32 @!p0 $0x7A2000;
	s16 =	sshll.u32 @!p0 s16, $0xE;
	s17 =	sadd.s32 @!p0 s3, s17  }
0x1a: {  	s16 =	sand.u32 @!p0 $0x4000, s16;
	s17 =	sadd.s32 @!p0 s18, s17;
	s18 =	simm.s32 @!p0 $0x2000  }
0x1b: {  	[tilespmem:s16], [sflag:$0x1] =	stream.strided.gather @!p0 [hbm4b:s17+s18], $0x4000, s19, s18, $0x38;
	[tilespmem:$0x10000] =	vst v63  }
0x1c: {  	p0 =	sge.u32 s31, s6  }
.Ltmp2:
0x1d: {  	_ = 	snop;
	(pc) =	sbr.rel @p0 .LBB1_9-.Ltmp2, $1  }
0x1e: {  	_ =	sdelay $0x3  }
0x1f: {  	s16 =	sshll.u32 s10, $0x2  }
0x20: {  	_ =	swait.ge [sflag:s5], $0x4000;
	s17 =	sshll.u32 s13, $0xE;
	s19 =	simm.s32 $0x0  }
0x21: {  	p1 =	por $0x1, $0x1;
	s16 =	sand.u32 $0x10000, s16;
	[sflag:s5] =	ssyncset.done $0x0  }
0x22: {  	s17 =	sand.u32 $0x4000, s17;
	s18 =	sshrl.u32 s16, $0x2;
	[sflag:s5] =	ssyncadd.s32 $0xFFFFC000  }
0x23: {  	s16 =	sor.u32 $0x8000, s17;
	s17 =	sadd.s32 $0x8040, s18;
	s18 =	sadd.s32 $0x40, s18  }
.LBB1_3:
0x24: {  	s19 =	sshll.u32 s19, $0x2  }
0x25: {  	p0 =	por p1, p1;
	s20 =	sshra.s32 s19, $0x2  }
0x26: {  	s21 =	simm.s32 $0x0;
	s19 =	sadd.s32 s20, s17;
	s20 =	sadd.s32 s20, s18  }
.LBB1_4:
0x27: {  	v0 =	vmov s20;
	_ =	sdelay $0x3  }
0x28: {  	s23 =	simm.s32 $0x0  }
0x29: {  	v6 =	vld.idx.msk [tilespmem:v0+s23+$0x30 ss:$0x1], $0xffff  }
0x2a: {  	v7 =	vld.idx.msk [tilespmem:v0+s23+$0xFFFFFFC0 ss:$0x1], $0xffff  }
0x2b: {  	v5 =	vld.idx.msk [tilespmem:v0+s23+$0xFFFFFFD0 ss:$0x1], $0xffff  }
0x2c: {  	v4 =	vld.idx.msk [tilespmem:v0+s23+$0xFFFFFFE0 ss:$0x1], $0xffff  }
0x2d: {  	v3 =	vld.idx.msk [tilespmem:v0+s23+$0xFFFFFFF0 ss:$0x1], $0xffff  }
0x2e: {  	v1 =	vld.idx.msk [tilespmem:v0+s23+$0x0 ss:$0x1], $0xffff  }
0x2f: {  	v2 =	vld.idx.msk [tilespmem:v0+s23+$0x10 ss:$0x1], $0xffff;
	[tilespmem:s19+$0x30] =	vst v6  }
0x30: {  	s22 =	simm.s32 $0x80;
	s24 =	simm.s32 $0x400;
	[tilespmem:s19+$0xFFFFFFC0] =	vst v7;
	v6 =	vld.idx.msk [tilespmem:v0+s23+$0x20 ss:$0x1], $0xffff;
	s23 =	smov.u32 s19  }
.LBB1_5:
0x31: {  	p1 =	sne.s32 s24, $0xE00;
	v7 =	vld.idx.msk [tilespmem:v0+s22+$0x30 ss:$0x1], $0xffff;
	[tilespmem:s23+$0xFFFFFFD0] =	vst v5  }
0x32: {  	v8 =	vld.idx.msk [tilespmem:v0+s22+$0xFFFFFFC0 ss:$0x1], $0xffff;
	[tilespmem:s23+$0xFFFFFFE0] =	vst v4  }
0x33: {  	v5 =	vld.idx.msk [tilespmem:v0+s22+$0xFFFFFFD0 ss:$0x1], $0xffff;
	[tilespmem:s23+$0xFFFFFFF0] =	vst v3  }
.Ltmp3:
0x34: {  	v4 =	vld.idx.msk [tilespmem:v0+s22+$0xFFFFFFE0 ss:$0x1], $0xffff;
	[tilespmem:s23+$0x0] =	vst v1;
	(pc) =	sbr.rel @p1 .LBB1_5-.Ltmp3, $4  }
0x35: {  	v3 =	vld.idx.msk [tilespmem:v0+s22+$0xFFFFFFF0 ss:$0x1], $0xffff;
	[tilespmem:s23+$0x10] =	vst v2  }
0x36: {  	v1 =	vld.idx.msk [tilespmem:v0+s22+$0x0 ss:$0x1], $0xffff;
	[tilespmem:s23+$0x20] =	vst v6;
	s23 =	sadd.s32 $0x400, s23  }
0x37: {  	v2 =	vld.idx.msk [tilespmem:v0+s22+$0x10 ss:$0x1], $0xffff;
	[tilespmem:s23+$0x30] =	vst v7  }
0x38: {  	[tilespmem:s23+$0xFFFFFFC0] =	vst v8;
	v6 =	vld.idx.msk [tilespmem:v0+s22+$0x20 ss:$0x1], $0xffff;
	s22 =	sshra.s32 s24, $0x2;
	s24 =	sadd.s32 $0x200, s24  }
0x39: {  	_ =	sdelay $0x2  }
0x3a: {  	[tilespmem:s23+$0xFFFFFFD0] =	vst v5  }
0x3b: {  	v56 =	vld.idx.msk [tilespmem:v0+s22+$0x30 ss:$0x1], $0xffff;
	[tilespmem:s23+$0xFFFFFFE0] =	vst v4  }
0x3c: {  	v57 =	vld.idx.msk [tilespmem:v0+s22+$0xFFFFFFC0 ss:$0x1], $0xffff;
	[tilespmem:s23+$0xFFFFFFF0] =	vst v3  }
0x3d: {  	v58 =	vld.idx.msk [tilespmem:v0+s22+$0xFFFFFFD0 ss:$0x1], $0xffff;
	[tilespmem:s23+$0x0] =	vst v1  }
0x3e: {  	v59 =	vld.idx.msk [tilespmem:v0+s22+$0xFFFFFFE0 ss:$0x1], $0xffff;
	[tilespmem:s23+$0x10] =	vst v2  }
0x3f: {  	v60 =	vld.idx.msk [tilespmem:v0+s22+$0xFFFFFFF0 ss:$0x1], $0xffff;
	s31 =	sadd.s32 $0x400, s23;
	[tilespmem:s23+$0x20] =	vst v6  }
0x40: {  	v61 =	vld.idx.msk [tilespmem:v0+s22+$0x0 ss:$0x1], $0xffff;
	[tilespmem:s31+$0x30] =	vst v56  }
0x41: {  	v62 =	vld.idx.msk [tilespmem:v0+s22+$0x10 ss:$0x1], $0xffff;
	s21 =	sadd.s32 $0x1, s21;
	[tilespmem:s31+$0xFFFFFFC0] =	vst v57  }
0x42: {  	v63 =	vld.idx.msk [tilespmem:v0+s22+$0x20 ss:$0x1], $0xffff;
	p1 =	sne.s32 s21, $0x8;
	[tilespmem:s31+$0xFFFFFFD0] =	vst v58  }
.Ltmp4:
0x43: {  	[tilespmem:s31+$0xFFFFFFE0] =	vst v59;
	(pc) =	sbr.rel @p1 .LBB1_4-.Ltmp4, $4  }
0x44: {  	[tilespmem:s31+$0xFFFFFFF0] =	vst v60  }
0x45: {  	[tilespmem:s31+$0x0] =	vst v61  }
0x46: {  	[tilespmem:s31+$0x10] =	vst v62  }
0x47: {  	s19 =	sadd.s32 $0x80, s19;
	s20 =	sadd.s32 $0x400, s20;
	[tilespmem:s31+$0x20] =	vst v63  }
.Ltmp5:
0x48: {  	(pc) =	sbr.rel @p0 .LBB1_3-.Ltmp5, $2  }
0x49: {  	_ =	sdelay $0x2  }
0x4a: {  	s19 =	simm.s32 $0x2000;
	p1 =	por $0x0, $0x0  }
0x4b: {  	s14 =	sand.u32 $0x1FFFFFF, s14  }
0x4c: {  	s17 =	smulhi.u32 $0x218A169, s14;
	_ =	sdelay $0x1  }
0x4d: {  	s15 =	smul.u32 $0xF4400, s15;
	s17 =	sshrl.u32 s17, $0x6  }
0x4e: {  	s17 =	smul.u32 $0x1E88, s17  }
.Ltmp6:
0x4f: {  	_ = 	snop;
	(pc) =	sbr.rel .LBB1_9-.Ltmp6, $4  }
0x50: {  	s14 =	ssub.s32 s14, s17  }
0x51: {  	s15 =	sadd.s32 s4, s15;
	s14 =	sshll.u32 s14, $0x4  }
0x52: {  	s14 =	sadd.s32 s14, s15  }
0x53: {  	[hbm4b:s14+s8] =	stream.strided.scatter [tilespmem:s16], [sflag:$0x2], $0x4000, s9, s8, $0x38;
	[tilespmem:$0x10000] =	vst v63  }
.LBB1_10:
0x54: {  	_ =	sfence.sel $0x180000  }
0x55: {  	s2 =	simm.s32 $0x1;
	[bflag:$0x0] =	sbarrier.arrive $0xFFFF  }
0x56: {  	s31 =	simm.s32 $0x2;
	[sflag:s2] =	ssyncpa.u1 $0x1  }
0x57: {  	[sflag:s31] =	ssyncpa.u1 $0x1  }
0x58: {  	p0 =	sne.s32 s0, $0x0;
	_ =	strace $0x90000047  }
0x59: {  	s0 =	sadd.s32 @!p0 $0x100000, s1;
	[bflag:$0x2] =	sbarrier.arrive $0xFFFF  }
0x5a: {  	[sflag:s0] =	ssyncadd.tile.s32 @!p0 $0x1;
	_ =	shalt  }
.Lfunc_end1:
_tile_overlayer_lowered:
.L_overlay_start_2:
0x5b: {  	(tag) =	ssettag $0x2  }
0x5c: {  	s0 =	rddreg [dreg:$0x0];
	s2 =	stileid.u32  }
0x5d: {  	s1 =	rddreg [dreg:$0x1];
	p0 =	sne.s32 s2, $0x0  }
0x5e: {  	s3 =	rddreg [dreg:$0x2];
	[bflag:$0x3] =	sbarrier.arrive $0xFFFF;
	s2 =	simm.s32 @!p0 $0x1C01  }
0x5f: {  	[timem:s3], [sflag:s2] =	dma.local @!p0 [hbm:s0], s1  }
0x60: {  	s0 =	simm.s32 @!p0 $0x1  }
0x61: {  	_ =	swait.ge @!p0 [sflag:s0], s1  }
0x62: {  	s1 =	ssub.s32 @!p0 $0x0, s1;
	[sflag:s0] =	ssyncset.done @!p0 $0x0  }
0x63: {  	[sflag:s0] =	ssyncadd.s32 @!p0 s1  }
0x64: {  	[bflag:$0x3] =	sbarrier.arrive $0xFFFF  }
0x65: {  	_ =	shalt  }

</sc_bundles>
